<compile_context>
chip_gen: v7x
topology: tpu7x:2x2x1
jax: 0.10.2.dev20260603
libtpu: 0.0.44.dev20260713+nightly
codegen_flags: <defaults>
</compile_context>

<pallas_src>
import functools

import jax
import jax.numpy as jnp
from jax import lax
from jax.experimental import pallas as pl
from jax.experimental.pallas import tpu as pltpu
from jax.experimental.pallas import tpu_sc as plsc

_VOCAB_SIZES = [100000] * 26
_EMBED = 32
_B, _T, _H = 1024, 20, 26
_V = 100000

_PER_H = _B * _T
_IDX_ROWS = _PER_H // 128

_STRIDE = 2621440
_CCOL = 81920


def _copy_body(in_ref, out_ref):
    out_ref[...] = in_ref[...].reshape(8, _CCOL // 128, 128)


_recopy = pl.pallas_call(
    _copy_body,
    grid=(4, _STRIDE // _CCOL),
    in_specs=[pl.BlockSpec((8, _CCOL), lambda g, c: (g, c))],
    out_specs=pl.BlockSpec((8, _CCOL // 128, 128), lambda g, c: (g, c, 0)),
    out_shape=jax.ShapeDtypeStruct((32, _STRIDE // 128, 128), jnp.float32),
)

_mesh = plsc.VectorSubcoreMesh(core_axis_name="c", subcore_axis_name="s")


@functools.partial(
    pl.kernel,
    mesh=_mesh,
    out_type=jax.ShapeDtypeStruct((_T, _H, _EMBED // 8, _B // 128, 8, 128),
                                  jnp.float32),
    scratch_types=[
        pltpu.VMEM((_V,), jnp.float32),
        pltpu.VMEM((_IDX_ROWS, 128), jnp.int32),
        pltpu.VMEM((2, 8, 128), jnp.float32),
        pltpu.SemaphoreType.DMA,
        pltpu.SemaphoreType.DMA,
        pltpu.SemaphoreType.DMA,
        pltpu.SemaphoreType.DMA,
    ],
    compiler_params=pltpu.CompilerParams(
        use_tc_tiling_on_sc=False, needs_layout_passes=False
    ),
)
def _sc_lookup(table_t_hbm, idx_hbm, out_hbm, strip_v, idx_v, ring_v,
               sem_in, sem_idx, sem_o0, sem_o1):
    d = lax.axis_index("s") * 2 + lax.axis_index("c")

    def per_head(h, carry):
        base = d * _STRIDE + h * _V
        chunk = _V // 10
        cps = [
            pltpu.async_copy(
                table_t_hbm.at[pl.ds(base + c * chunk, chunk)],
                strip_v.at[pl.ds(c * chunk, chunk)],
                sem_in,
            )
            for c in range(10)
        ]
        cpi = pltpu.async_copy(idx_hbm.at[h], idx_v, sem_idx)
        for cp in cps:
            cp.wait()
        cpi.wait()

        def per_t(t, carry_t):
            slot = lax.rem(t, 2)
            sem_o = [sem_o0, sem_o1]
            g = h * _T + t

            @pl.when(g >= 2)
            def _():
                for s, sem in enumerate(sem_o):
                    @pl.when(slot == s)
                    def _():
                        pltpu.make_async_copy(
                            ring_v.at[s], out_hbm.at[t, h, d // 8, :, d % 8, :], sem
                        ).wait()

            @plsc.parallel_loop(0, _B // 16, unroll=16)
            def _gather(v):
                r = v // 8
                c = lax.rem(v, 8) * 16
                iv = idx_v[t * 8 + r, pl.ds(c, 16)]
                ring_v[slot, r, pl.ds(c, 16)] = plsc.load_gather(strip_v, [iv])

            for s, sem in enumerate(sem_o):
                @pl.when(slot == s)
                def _():
                    pltpu.async_copy(ring_v.at[s], out_hbm.at[t, h, d // 8, :, d % 8, :], sem)
            return carry_t

        lax.fori_loop(0, _T, per_t, 0)
        return carry

    lax.fori_loop(0, _H, per_head, 0)

    pltpu.make_async_copy(ring_v.at[0], out_hbm.at[0, 0, d // 8, :, d % 8, :], sem_o0).wait()
    pltpu.make_async_copy(ring_v.at[1], out_hbm.at[0, 0, d // 8, :, d % 8, :], sem_o1).wait()


def kernel(indices, table):
    table_t = table.T
    table_p = _recopy(table_t).reshape(-1)
    idx_t = jnp.transpose(indices, (2, 1, 0)).astype(jnp.int32)
    idx3 = idx_t.reshape(_H, _IDX_ROWS, 128)
    out6 = _sc_lookup(table_p, idx3)
    x = jnp.transpose(out6, (3, 5, 0, 1, 2, 4))
    return x.reshape(_B, _T, _H, _EMBED)

# --- scband reference (transcript-rebuilt; emitter-appended) ---
"""Pipeline reference for scband-multi-head-embedding-23476291240534 (READ-ONLY COPY).

The authoritative reference and input builder live on the scoring server;
editing this copy changes nothing except your own understanding.
"""

import jax, jax.numpy as jnp
import numpy as np

VOCAB_SIZES = [100000] * 26
EMBED_DIM = 32
B, T, H = 1024, 20, 26


def setup_inputs(seed: int = 0) -> dict:
    key = jax.random.key(seed)
    k1, k2 = jax.random.split(key)
    indices = jax.random.randint(k1, (B, T, H), 0, 100000)
    total_vocab = int(sum(VOCAB_SIZES))
    table = jax.random.normal(k2, (total_vocab, EMBED_DIM), dtype=jnp.float32) * 0.02
    return {"indices": indices, "table": table}


def reference(indices, table):
    # per-head offsets: cumulative sum of vocab sizes, starting at 0
    offsets_np = np.concatenate([[0], np.cumsum(np.asarray(VOCAB_SIZES[:-1], dtype=np.int64))])
    offsets = jnp.asarray(offsets_np, dtype=indices.dtype)
    shifted = indices + offsets  # (B, T, H) + (H,) broadcast
    # embedding lookup -> (B, T, H, embed_dim)
    out = jnp.take(table, shifted, axis=0)
    return out

if __name__ == "__main__":
    import jax
    _d = setup_inputs()
    print(jax.jit(kernel)(*tuple(_d.values())))

</pallas_src>

<mosaic_0001>
#map = affine_map<(d0, d1) -> (0)>
#map1 = affine_map<(d0, d1) -> (0, 0, 0)>
#map2 = affine_map<(d0, d1) -> (0, 0, 0, 0, 0, 0)>
module attributes {stable_mosaic.version = 14 : i64} {
  func.func @_sc_lookup(%arg0: i32, %arg1: i32, %arg2: memref<83886080xf32, #tpu.memory_space<hbm>>, %arg3: memref<26x160x128xi32, #tpu.memory_space<hbm>>, %arg4: memref<20x26x4x8x8x128xf32, #tpu.memory_space<hbm>>, %arg5: memref<100000xf32, #tpu.memory_space<vmem>>, %arg6: memref<160x128xi32, #tpu.memory_space<vmem>>, %arg7: memref<2x8x128xf32, #tpu.memory_space<vmem>>, %arg8: memref<!tpu.dma_semaphore, #tpu.memory_space<semaphore_mem>>, %arg9: memref<!tpu.dma_semaphore, #tpu.memory_space<semaphore_mem>>, %arg10: memref<!tpu.dma_semaphore, #tpu.memory_space<semaphore_mem>>, %arg11: memref<!tpu.dma_semaphore, #tpu.memory_space<semaphore_mem>>) attributes {dimension_semantics = [#tpu.dimension_semantics<core_parallel>, #tpu.dimension_semantics<subcore_parallel>], iteration_bounds = array<i64: 2, 16>, scalar_prefetch = 0 : i64, scratch_operands = 7 : i64, tpu.core_type = #tpu.core_type<sc_vector_subcore>, window_params = [{transform_indices = #map}, {transform_indices = #map1}, {transform_indices = #map2}]} {
    %mul3A = arith.constant 2 : i32
    %mul3A_0 = arith.muli %arg1, %mul3A : i32
    %add3A = arith.addi %mul3A_0, %arg0 : i32
    %scan3A = arith.constant 0 : i32
    %scan3A_1 = arith.constant 0 : i32
    %scan3A_2 = arith.constant 26 : i32
    %scan3A_3 = arith.addi %scan3A_1, %scan3A_2 : i32
    %scan3A_4 = arith.constant 1 : i32
    scf.for %scan3A_113 = %scan3A_1 to %scan3A_3 step %scan3A_4  : i32 {
      %mul3A_114 = arith.constant 2621440 : i32
      %mul3A_115 = arith.muli %add3A, %mul3A_114 : i32
      %mul3A_116 = arith.constant 100000 : i32
      %mul3A_117 = arith.muli %scan3A_113, %mul3A_116 : i32
      %add3A_118 = arith.addi %mul3A_115, %mul3A_117 : i32
      %add3A_119 = arith.constant 0 : i32
      %add3A_120 = arith.addi %add3A_118, %add3A_119 : i32
      %dma_start3A = arith.constant 0 : i32
      %dma_start3A_121 = tpu.memref_slice %arg5[%dma_start3A] : memref<100000xf32, #tpu.memory_space<vmem>> -> memref<10000xf32, #tpu.memory_space<vmem>>
      %dma_start3A_122 = tpu.memref_slice %arg2[%add3A_120] : memref<83886080xf32, #tpu.memory_space<hbm>> -> memref<10000xf32, #tpu.memory_space<hbm>>
      %dma_start3A_123 = arith.constant 0 : i32
      %dma_start3A_124 = tpu.memref_slice %arg5[%dma_start3A_123] : memref<100000xf32, #tpu.memory_space<vmem>> -> memref<10000xf32, #tpu.memory_space<vmem>>
      %dma_start3A_125 = tpu.memref_slice %arg2[%add3A_120] : memref<83886080xf32, #tpu.memory_space<hbm>> -> memref<10000xf32, #tpu.memory_space<hbm>>
      tpu.enqueue_dma source(%dma_start3A_125 : memref<10000xf32, #tpu.memory_space<hbm>>) target(%dma_start3A_124 : memref<10000xf32, #tpu.memory_space<vmem>>) target_semaphore(%arg8 : memref<!tpu.dma_semaphore, #tpu.memory_space<semaphore_mem>>)
      %add3A_126 = arith.constant 10000 : i32
      %add3A_127 = arith.addi %add3A_118, %add3A_126 : i32
      %dma_start3A_128 = arith.constant 10000 : i32
      %dma_start3A_129 = tpu.memref_slice %arg5[%dma_start3A_128] : memref<100000xf32, #tpu.memory_space<vmem>> -> memref<10000xf32, #tpu.memory_space<vmem>>
      %dma_start3A_130 = tpu.memref_slice %arg2[%add3A_127] : memref<83886080xf32, #tpu.memory_space<hbm>> -> memref<10000xf32, #tpu.memory_space<hbm>>
      %dma_start3A_131 = arith.constant 10000 : i32
      %dma_start3A_132 = tpu.memref_slice %arg5[%dma_start3A_131] : memref<100000xf32, #tpu.memory_space<vmem>> -> memref<10000xf32, #tpu.memory_space<vmem>>
      %dma_start3A_133 = tpu.memref_slice %arg2[%add3A_127] : memref<83886080xf32, #tpu.memory_space<hbm>> -> memref<10000xf32, #tpu.memory_space<hbm>>
      tpu.enqueue_dma source(%dma_start3A_133 : memref<10000xf32, #tpu.memory_space<hbm>>) target(%dma_start3A_132 : memref<10000xf32, #tpu.memory_space<vmem>>) target_semaphore(%arg8 : memref<!tpu.dma_semaphore, #tpu.memory_space<semaphore_mem>>)
      %add3A_134 = arith.constant 20000 : i32
      %add3A_135 = arith.addi %add3A_118, %add3A_134 : i32
      %dma_start3A_136 = arith.constant 20000 : i32
      %dma_start3A_137 = tpu.memref_slice %arg5[%dma_start3A_136] : memref<100000xf32, #tpu.memory_space<vmem>> -> memref<10000xf32, #tpu.memory_space<vmem>>
      %dma_start3A_138 = tpu.memref_slice %arg2[%add3A_135] : memref<83886080xf32, #tpu.memory_space<hbm>> -> memref<10000xf32, #tpu.memory_space<hbm>>
      %dma_start3A_139 = arith.constant 20000 : i32
      %dma_start3A_140 = tpu.memref_slice %arg5[%dma_start3A_139] : memref<100000xf32, #tpu.memory_space<vmem>> -> memref<10000xf32, #tpu.memory_space<vmem>>
      %dma_start3A_141 = tpu.memref_slice %arg2[%add3A_135] : memref<83886080xf32, #tpu.memory_space<hbm>> -> memref<10000xf32, #tpu.memory_space<hbm>>
      tpu.enqueue_dma source(%dma_start3A_141 : memref<10000xf32, #tpu.memory_space<hbm>>) target(%dma_start3A_140 : memref<10000xf32, #tpu.memory_space<vmem>>) target_semaphore(%arg8 : memref<!tpu.dma_semaphore, #tpu.memory_space<semaphore_mem>>)
      %add3A_142 = arith.constant 30000 : i32
      %add3A_143 = arith.addi %add3A_118, %add3A_142 : i32
      %dma_start3A_144 = arith.constant 30000 : i32
      %dma_start3A_145 = tpu.memref_slice %arg5[%dma_start3A_144] : memref<100000xf32, #tpu.memory_space<vmem>> -> memref<10000xf32, #tpu.memory_space<vmem>>
      %dma_start3A_146 = tpu.memref_slice %arg2[%add3A_143] : memref<83886080xf32, #tpu.memory_space<hbm>> -> memref<10000xf32, #tpu.memory_space<hbm>>
      %dma_start3A_147 = arith.constant 30000 : i32
      %dma_start3A_148 = tpu.memref_slice %arg5[%dma_start3A_147] : memref<100000xf32, #tpu.memory_space<vmem>> -> memref<10000xf32, #tpu.memory_space<vmem>>
      %dma_start3A_149 = tpu.memref_slice %arg2[%add3A_143] : memref<83886080xf32, #tpu.memory_space<hbm>> -> memref<10000xf32, #tpu.memory_space<hbm>>
      tpu.enqueue_dma source(%dma_start3A_149 : memref<10000xf32, #tpu.memory_space<hbm>>) target(%dma_start3A_148 : memref<10000xf32, #tpu.memory_space<vmem>>) target_semaphore(%arg8 : memref<!tpu.dma_semaphore, #tpu.memory_space<semaphore_mem>>)
      %add3A_150 = arith.constant 40000 : i32
      %add3A_151 = arith.addi %add3A_118, %add3A_150 : i32
      %dma_start3A_152 = arith.constant 40000 : i32
      %dma_start3A_153 = tpu.memref_slice %arg5[%dma_start3A_152] : memref<100000xf32, #tpu.memory_space<vmem>> -> memref<10000xf32, #tpu.memory_space<vmem>>
      %dma_start3A_154 = tpu.memref_slice %arg2[%add3A_151] : memref<83886080xf32, #tpu.memory_space<hbm>> -> memref<10000xf32, #tpu.memory_space<hbm>>
      %dma_start3A_155 = arith.constant 40000 : i32
      %dma_start3A_156 = tpu.memref_slice %arg5[%dma_start3A_155] : memref<100000xf32, #tpu.memory_space<vmem>> -> memref<10000xf32, #tpu.memory_space<vmem>>
      %dma_start3A_157 = tpu.memref_slice %arg2[%add3A_151] : memref<83886080xf32, #tpu.memory_space<hbm>> -> memref<10000xf32, #tpu.memory_space<hbm>>
      tpu.enqueue_dma source(%dma_start3A_157 : memref<10000xf32, #tpu.memory_space<hbm>>) target(%dma_start3A_156 : memref<10000xf32, #tpu.memory_space<vmem>>) target_semaphore(%arg8 : memref<!tpu.dma_semaphore, #tpu.memory_space<semaphore_mem>>)
      %add3A_158 = arith.constant 50000 : i32
      %add3A_159 = arith.addi %add3A_118, %add3A_158 : i32
      %dma_start3A_160 = arith.constant 50000 : i32
      %dma_start3A_161 = tpu.memref_slice %arg5[%dma_start3A_160] : memref<100000xf32, #tpu.memory_space<vmem>> -> memref<10000xf32, #tpu.memory_space<vmem>>
      %dma_start3A_162 = tpu.memref_slice %arg2[%add3A_159] : memref<83886080xf32, #tpu.memory_space<hbm>> -> memref<10000xf32, #tpu.memory_space<hbm>>
      %dma_start3A_163 = arith.constant 50000 : i32
      %dma_start3A_164 = tpu.memref_slice %arg5[%dma_start3A_163] : memref<100000xf32, #tpu.memory_space<vmem>> -> memref<10000xf32, #tpu.memory_space<vmem>>
      %dma_start3A_165 = tpu.memref_slice %arg2[%add3A_159] : memref<83886080xf32, #tpu.memory_space<hbm>> -> memref<10000xf32, #tpu.memory_space<hbm>>
      tpu.enqueue_dma source(%dma_start3A_165 : memref<10000xf32, #tpu.memory_space<hbm>>) target(%dma_start3A_164 : memref<10000xf32, #tpu.memory_space<vmem>>) target_semaphore(%arg8 : memref<!tpu.dma_semaphore, #tpu.memory_space<semaphore_mem>>)
      %add3A_166 = arith.constant 60000 : i32
      %add3A_167 = arith.addi %add3A_118, %add3A_166 : i32
      %dma_start3A_168 = arith.constant 60000 : i32
      %dma_start3A_169 = tpu.memref_slice %arg5[%dma_start3A_168] : memref<100000xf32, #tpu.memory_space<vmem>> -> memref<10000xf32, #tpu.memory_space<vmem>>
      %dma_start3A_170 = tpu.memref_slice %arg2[%add3A_167] : memref<83886080xf32, #tpu.memory_space<hbm>> -> memref<10000xf32, #tpu.memory_space<hbm>>
      %dma_start3A_171 = arith.constant 60000 : i32
      %dma_start3A_172 = tpu.memref_slice %arg5[%dma_start3A_171] : memref<100000xf32, #tpu.memory_space<vmem>> -> memref<10000xf32, #tpu.memory_space<vmem>>
      %dma_start3A_173 = tpu.memref_slice %arg2[%add3A_167] : memref<83886080xf32, #tpu.memory_space<hbm>> -> memref<10000xf32, #tpu.memory_space<hbm>>
      tpu.enqueue_dma source(%dma_start3A_173 : memref<10000xf32, #tpu.memory_space<hbm>>) target(%dma_start3A_172 : memref<10000xf32, #tpu.memory_space<vmem>>) target_semaphore(%arg8 : memref<!tpu.dma_semaphore, #tpu.memory_space<semaphore_mem>>)
      %add3A_174 = arith.constant 70000 : i32
      %add3A_175 = arith.addi %add3A_118, %add3A_174 : i32
      %dma_start3A_176 = arith.constant 70000 : i32
      %dma_start3A_177 = tpu.memref_slice %arg5[%dma_start3A_176] : memref<100000xf32, #tpu.memory_space<vmem>> -> memref<10000xf32, #tpu.memory_space<vmem>>
      %dma_start3A_178 = tpu.memref_slice %arg2[%add3A_175] : memref<83886080xf32, #tpu.memory_space<hbm>> -> memref<10000xf32, #tpu.memory_space<hbm>>
      %dma_start3A_179 = arith.constant 70000 : i32
      %dma_start3A_180 = tpu.memref_slice %arg5[%dma_start3A_179] : memref<100000xf32, #tpu.memory_space<vmem>> -> memref<10000xf32, #tpu.memory_space<vmem>>
      %dma_start3A_181 = tpu.memref_slice %arg2[%add3A_175] : memref<83886080xf32, #tpu.memory_space<hbm>> -> memref<10000xf32, #tpu.memory_space<hbm>>
      tpu.enqueue_dma source(%dma_start3A_181 : memref<10000xf32, #tpu.memory_space<hbm>>) target(%dma_start3A_180 : memref<10000xf32, #tpu.memory_space<vmem>>) target_semaphore(%arg8 : memref<!tpu.dma_semaphore, #tpu.memory_space<semaphore_mem>>)
      %add3A_182 = arith.constant 80000 : i32
      %add3A_183 = arith.addi %add3A_118, %add3A_182 : i32
      %dma_start3A_184 = arith.constant 80000 : i32
      %dma_start3A_185 = tpu.memref_slice %arg5[%dma_start3A_184] : memref<100000xf32, #tpu.memory_space<vmem>> -> memref<10000xf32, #tpu.memory_space<vmem>>
      %dma_start3A_186 = tpu.memref_slice %arg2[%add3A_183] : memref<83886080xf32, #tpu.memory_space<hbm>> -> memref<10000xf32, #tpu.memory_space<hbm>>
      %dma_start3A_187 = arith.constant 80000 : i32
      %dma_start3A_188 = tpu.memref_slice %arg5[%dma_start3A_187] : memref<100000xf32, #tpu.memory_space<vmem>> -> memref<10000xf32, #tpu.memory_space<vmem>>
      %dma_start3A_189 = tpu.memref_slice %arg2[%add3A_183] : memref<83886080xf32, #tpu.memory_space<hbm>> -> memref<10000xf32, #tpu.memory_space<hbm>>
      tpu.enqueue_dma source(%dma_start3A_189 : memref<10000xf32, #tpu.memory_space<hbm>>) target(%dma_start3A_188 : memref<10000xf32, #tpu.memory_space<vmem>>) target_semaphore(%arg8 : memref<!tpu.dma_semaphore, #tpu.memory_space<semaphore_mem>>)
      %add3A_190 = arith.constant 90000 : i32
      %add3A_191 = arith.addi %add3A_118, %add3A_190 : i32
      %dma_start3A_192 = arith.constant 90000 : i32
      %dma_start3A_193 = tpu.memref_slice %arg5[%dma_start3A_192] : memref<100000xf32, #tpu.memory_space<vmem>> -> memref<10000xf32, #tpu.memory_space<vmem>>
      %dma_start3A_194 = tpu.memref_slice %arg2[%add3A_191] : memref<83886080xf32, #tpu.memory_space<hbm>> -> memref<10000xf32, #tpu.memory_space<hbm>>
      %dma_start3A_195 = arith.constant 90000 : i32
      %dma_start3A_196 = tpu.memref_slice %arg5[%dma_start3A_195] : memref<100000xf32, #tpu.memory_space<vmem>> -> memref<10000xf32, #tpu.memory_space<vmem>>
      %dma_start3A_197 = tpu.memref_slice %arg2[%add3A_191] : memref<83886080xf32, #tpu.memory_space<hbm>> -> memref<10000xf32, #tpu.memory_space<hbm>>
      tpu.enqueue_dma source(%dma_start3A_197 : memref<10000xf32, #tpu.memory_space<hbm>>) target(%dma_start3A_196 : memref<10000xf32, #tpu.memory_space<vmem>>) target_semaphore(%arg8 : memref<!tpu.dma_semaphore, #tpu.memory_space<semaphore_mem>>)
      %dma_start3A_198 = arith.constant 0 : i32
      %dma_start3A_199 = arith.constant 0 : i32
      %dma_start3A_200 = tpu.memref_slice %arg3[%scan3A_113, %dma_start3A_198, %dma_start3A_199] : memref<26x160x128xi32, #tpu.memory_space<hbm>> -> memref<1x160x128xi32, #tpu.memory_space<hbm>>
      %dma_start3A_201 = tpu.memref_squeeze %dma_start3A_200 : memref<1x160x128xi32, #tpu.memory_space<hbm>> -> memref<160x128xi32, #tpu.memory_space<hbm>>
      %dma_start3A_202 = arith.constant 0 : i32
      %dma_start3A_203 = arith.constant 0 : i32
      %dma_start3A_204 = tpu.memref_slice %arg3[%scan3A_113, %dma_start3A_202, %dma_start3A_203] : memref<26x160x128xi32, #tpu.memory_space<hbm>> -> memref<1x160x128xi32, #tpu.memory_space<hbm>>
      %dma_start3A_205 = tpu.memref_squeeze %dma_start3A_204 : memref<1x160x128xi32, #tpu.memory_space<hbm>> -> memref<160x128xi32, #tpu.memory_space<hbm>>
      tpu.enqueue_dma source(%dma_start3A_205 : memref<160x128xi32, #tpu.memory_space<hbm>>) target(%arg6 : memref<160x128xi32, #tpu.memory_space<vmem>>) target_semaphore(%arg9 : memref<!tpu.dma_semaphore, #tpu.memory_space<semaphore_mem>>)
      %dma_wait3A_206 = arith.constant 0 : i32
      %dma_wait3A_207 = tpu.memref_slice %arg5[%dma_wait3A_206] : memref<100000xf32, #tpu.memory_space<vmem>> -> memref<10000xf32, #tpu.memory_space<vmem>>
      %dma_wait3A_208 = tpu.memref_slice %arg2[%add3A_120] : memref<83886080xf32, #tpu.memory_space<hbm>> -> memref<10000xf32, #tpu.memory_space<hbm>>
      %dma_wait3A_209 = arith.constant 0 : i32
      %dma_wait3A_210 = tpu.memref_slice %arg5[%dma_wait3A_209] : memref<100000xf32, #tpu.memory_space<vmem>> -> memref<10000xf32, #tpu.memory_space<vmem>>
      %dma_wait3A_211 = tpu.memref_slice %arg2[%add3A_120] : memref<83886080xf32, #tpu.memory_space<hbm>> -> memref<10000xf32, #tpu.memory_space<hbm>>
      tpu.wait_dma2 semaphore(%arg8 : memref<!tpu.dma_semaphore, #tpu.memory_space<semaphore_mem>>) src(%dma_wait3A_211 : memref<10000xf32, #tpu.memory_space<hbm>>) dst(%dma_wait3A_210 : memref<10000xf32, #tpu.memory_space<vmem>>)
      %dma_wait3A_212 = arith.constant 10000 : i32
      %dma_wait3A_213 = tpu.memref_slice %arg5[%dma_wait3A_212] : memref<100000xf32, #tpu.memory_space<vmem>> -> memref<10000xf32, #tpu.memory_space<vmem>>
      %dma_wait3A_214 = tpu.memref_slice %arg2[%add3A_127] : memref<83886080xf32, #tpu.memory_space<hbm>> -> memref<10000xf32, #tpu.memory_space<hbm>>
      %dma_wait3A_215 = arith.constant 10000 : i32
      %dma_wait3A_216 = tpu.memref_slice %arg5[%dma_wait3A_215] : memref<100000xf32, #tpu.memory_space<vmem>> -> memref<10000xf32, #tpu.memory_space<vmem>>
      %dma_wait3A_217 = tpu.memref_slice %arg2[%add3A_127] : memref<83886080xf32, #tpu.memory_space<hbm>> -> memref<10000xf32, #tpu.memory_space<hbm>>
      tpu.wait_dma2 semaphore(%arg8 : memref<!tpu.dma_semaphore, #tpu.memory_space<semaphore_mem>>) src(%dma_wait3A_217 : memref<10000xf32, #tpu.memory_space<hbm>>) dst(%dma_wait3A_216 : memref<10000xf32, #tpu.memory_space<vmem>>)
      %dma_wait3A_218 = arith.constant 20000 : i32
      %dma_wait3A_219 = tpu.memref_slice %arg5[%dma_wait3A_218] : memref<100000xf32, #tpu.memory_space<vmem>> -> memref<10000xf32, #tpu.memory_space<vmem>>
      %dma_wait3A_220 = tpu.memref_slice %arg2[%add3A_135] : memref<83886080xf32, #tpu.memory_space<hbm>> -> memref<10000xf32, #tpu.memory_space<hbm>>
      %dma_wait3A_221 = arith.constant 20000 : i32
      %dma_wait3A_222 = tpu.memref_slice %arg5[%dma_wait3A_221] : memref<100000xf32, #tpu.memory_space<vmem>> -> memref<10000xf32, #tpu.memory_space<vmem>>
      %dma_wait3A_223 = tpu.memref_slice %arg2[%add3A_135] : memref<83886080xf32, #tpu.memory_space<hbm>> -> memref<10000xf32, #tpu.memory_space<hbm>>
      tpu.wait_dma2 semaphore(%arg8 : memref<!tpu.dma_semaphore, #tpu.memory_space<semaphore_mem>>) src(%dma_wait3A_223 : memref<10000xf32, #tpu.memory_space<hbm>>) dst(%dma_wait3A_222 : memref<10000xf32, #tpu.memory_space<vmem>>)
      %dma_wait3A_224 = arith.constant 30000 : i32
      %dma_wait3A_225 = tpu.memref_slice %arg5[%dma_wait3A_224] : memref<100000xf32, #tpu.memory_space<vmem>> -> memref<10000xf32, #tpu.memory_space<vmem>>
      %dma_wait3A_226 = tpu.memref_slice %arg2[%add3A_143] : memref<83886080xf32, #tpu.memory_space<hbm>> -> memref<10000xf32, #tpu.memory_space<hbm>>
      %dma_wait3A_227 = arith.constant 30000 : i32
      %dma_wait3A_228 = tpu.memref_slice %arg5[%dma_wait3A_227] : memref<100000xf32, #tpu.memory_space<vmem>> -> memref<10000xf32, #tpu.memory_space<vmem>>
      %dma_wait3A_229 = tpu.memref_slice %arg2[%add3A_143] : memref<83886080xf32, #tpu.memory_space<hbm>> -> memref<10000xf32, #tpu.memory_space<hbm>>
      tpu.wait_dma2 semaphore(%arg8 : memref<!tpu.dma_semaphore, #tpu.memory_space<semaphore_mem>>) src(%dma_wait3A_229 : memref<10000xf32, #tpu.memory_space<hbm>>) dst(%dma_wait3A_228 : memref<10000xf32, #tpu.memory_space<vmem>>)
      %dma_wait3A_230 = arith.constant 40000 : i32
      %dma_wait3A_231 = tpu.memref_slice %arg5[%dma_wait3A_230] : memref<100000xf32, #tpu.memory_space<vmem>> -> memref<10000xf32, #tpu.memory_space<vmem>>
      %dma_wait3A_232 = tpu.memref_slice %arg2[%add3A_151] : memref<83886080xf32, #tpu.memory_space<hbm>> -> memref<10000xf32, #tpu.memory_space<hbm>>
      %dma_wait3A_233 = arith.constant 40000 : i32
      %dma_wait3A_234 = tpu.memref_slice %arg5[%dma_wait3A_233] : memref<100000xf32, #tpu.memory_space<vmem>> -> memref<10000xf32, #tpu.memory_space<vmem>>
      %dma_wait3A_235 = tpu.memref_slice %arg2[%add3A_151] : memref<83886080xf32, #tpu.memory_space<hbm>> -> memref<10000xf32, #tpu.memory_space<hbm>>
      tpu.wait_dma2 semaphore(%arg8 : memref<!tpu.dma_semaphore, #tpu.memory_space<semaphore_mem>>) src(%dma_wait3A_235 : memref<10000xf32, #tpu.memory_space<hbm>>) dst(%dma_wait3A_234 : memref<10000xf32, #tpu.memory_space<vmem>>)
      %dma_wait3A_236 = arith.constant 50000 : i32
      %dma_wait3A_237 = tpu.memref_slice %arg5[%dma_wait3A_236] : memref<100000xf32, #tpu.memory_space<vmem>> -> memref<10000xf32, #tpu.memory_space<vmem>>
      %dma_wait3A_238 = tpu.memref_slice %arg2[%add3A_159] : memref<83886080xf32, #tpu.memory_space<hbm>> -> memref<10000xf32, #tpu.memory_space<hbm>>
      %dma_wait3A_239 = arith.constant 50000 : i32
      %dma_wait3A_240 = tpu.memref_slice %arg5[%dma_wait3A_239] : memref<100000xf32, #tpu.memory_space<vmem>> -> memref<10000xf32, #tpu.memory_space<vmem>>
      %dma_wait3A_241 = tpu.memref_slice %arg2[%add3A_159] : memref<83886080xf32, #tpu.memory_space<hbm>> -> memref<10000xf32, #tpu.memory_space<hbm>>
      tpu.wait_dma2 semaphore(%arg8 : memref<!tpu.dma_semaphore, #tpu.memory_space<semaphore_mem>>) src(%dma_wait3A_241 : memref<10000xf32, #tpu.memory_space<hbm>>) dst(%dma_wait3A_240 : memref<10000xf32, #tpu.memory_space<vmem>>)
      %dma_wait3A_242 = arith.constant 60000 : i32
      %dma_wait3A_243 = tpu.memref_slice %arg5[%dma_wait3A_242] : memref<100000xf32, #tpu.memory_space<vmem>> -> memref<10000xf32, #tpu.memory_space<vmem>>
      %dma_wait3A_244 = tpu.memref_slice %arg2[%add3A_167] : memref<83886080xf32, #tpu.memory_space<hbm>> -> memref<10000xf32, #tpu.memory_space<hbm>>
      %dma_wait3A_245 = arith.constant 60000 : i32
      %dma_wait3A_246 = tpu.memref_slice %arg5[%dma_wait3A_245] : memref<100000xf32, #tpu.memory_space<vmem>> -> memref<10000xf32, #tpu.memory_space<vmem>>
      %dma_wait3A_247 = tpu.memref_slice %arg2[%add3A_167] : memref<83886080xf32, #tpu.memory_space<hbm>> -> memref<10000xf32, #tpu.memory_space<hbm>>
      tpu.wait_dma2 semaphore(%arg8 : memref<!tpu.dma_semaphore, #tpu.memory_space<semaphore_mem>>) src(%dma_wait3A_247 : memref<10000xf32, #tpu.memory_space<hbm>>) dst(%dma_wait3A_246 : memref<10000xf32, #tpu.memory_space<vmem>>)
      %dma_wait3A_248 = arith.constant 70000 : i32
      %dma_wait3A_249 = tpu.memref_slice %arg5[%dma_wait3A_248] : memref<100000xf32, #tpu.memory_space<vmem>> -> memref<10000xf32, #tpu.memory_space<vmem>>
      %dma_wait3A_250 = tpu.memref_slice %arg2[%add3A_175] : memref<83886080xf32, #tpu.memory_space<hbm>> -> memref<10000xf32, #tpu.memory_space<hbm>>
      %dma_wait3A_251 = arith.constant 70000 : i32
      %dma_wait3A_252 = tpu.memref_slice %arg5[%dma_wait3A_251] : memref<100000xf32, #tpu.memory_space<vmem>> -> memref<10000xf32, #tpu.memory_space<vmem>>
      %dma_wait3A_253 = tpu.memref_slice %arg2[%add3A_175] : memref<83886080xf32, #tpu.memory_space<hbm>> -> memref<10000xf32, #tpu.memory_space<hbm>>
      tpu.wait_dma2 semaphore(%arg8 : memref<!tpu.dma_semaphore, #tpu.memory_space<semaphore_mem>>) src(%dma_wait3A_253 : memref<10000xf32, #tpu.memory_space<hbm>>) dst(%dma_wait3A_252 : memref<10000xf32, #tpu.memory_space<vmem>>)
      %dma_wait3A_254 = arith.constant 80000 : i32
      %dma_wait3A_255 = tpu.memref_slice %arg5[%dma_wait3A_254] : memref<100000xf32, #tpu.memory_space<vmem>> -> memref<10000xf32, #tpu.memory_space<vmem>>
      %dma_wait3A_256 = tpu.memref_slice %arg2[%add3A_183] : memref<83886080xf32, #tpu.memory_space<hbm>> -> memref<10000xf32, #tpu.memory_space<hbm>>
      %dma_wait3A_257 = arith.constant 80000 : i32
      %dma_wait3A_258 = tpu.memref_slice %arg5[%dma_wait3A_257] : memref<100000xf32, #tpu.memory_space<vmem>> -> memref<10000xf32, #tpu.memory_space<vmem>>
      %dma_wait3A_259 = tpu.memref_slice %arg2[%add3A_183] : memref<83886080xf32, #tpu.memory_space<hbm>> -> memref<10000xf32, #tpu.memory_space<hbm>>
      tpu.wait_dma2 semaphore(%arg8 : memref<!tpu.dma_semaphore, #tpu.memory_space<semaphore_mem>>) src(%dma_wait3A_259 : memref<10000xf32, #tpu.memory_space<hbm>>) dst(%dma_wait3A_258 : memref<10000xf32, #tpu.memory_space<vmem>>)
      %dma_wait3A_260 = arith.constant 90000 : i32
      %dma_wait3A_261 = tpu.memref_slice %arg5[%dma_wait3A_260] : memref<100000xf32, #tpu.memory_space<vmem>> -> memref<10000xf32, #tpu.memory_space<vmem>>
      %dma_wait3A_262 = tpu.memref_slice %arg2[%add3A_191] : memref<83886080xf32, #tpu.memory_space<hbm>> -> memref<10000xf32, #tpu.memory_space<hbm>>
      %dma_wait3A_263 = arith.constant 90000 : i32
      %dma_wait3A_264 = tpu.memref_slice %arg5[%dma_wait3A_263] : memref<100000xf32, #tpu.memory_space<vmem>> -> memref<10000xf32, #tpu.memory_space<vmem>>
      %dma_wait3A_265 = tpu.memref_slice %arg2[%add3A_191] : memref<83886080xf32, #tpu.memory_space<hbm>> -> memref<10000xf32, #tpu.memory_space<hbm>>
      tpu.wait_dma2 semaphore(%arg8 : memref<!tpu.dma_semaphore, #tpu.memory_space<semaphore_mem>>) src(%dma_wait3A_265 : memref<10000xf32, #tpu.memory_space<hbm>>) dst(%dma_wait3A_264 : memref<10000xf32, #tpu.memory_space<vmem>>)
      %dma_wait3A_266 = arith.constant 0 : i32
      %dma_wait3A_267 = arith.constant 0 : i32
      %dma_wait3A_268 = tpu.memref_slice %arg3[%scan3A_113, %dma_wait3A_266, %dma_wait3A_267] : memref<26x160x128xi32, #tpu.memory_space<hbm>> -> memref<1x160x128xi32, #tpu.memory_space<hbm>>
      %dma_wait3A_269 = tpu.memref_squeeze %dma_wait3A_268 : memref<1x160x128xi32, #tpu.memory_space<hbm>> -> memref<160x128xi32, #tpu.memory_space<hbm>>
      %dma_wait3A_270 = arith.constant 0 : i32
      %dma_wait3A_271 = arith.constant 0 : i32
      %dma_wait3A_272 = tpu.memref_slice %arg3[%scan3A_113, %dma_wait3A_270, %dma_wait3A_271] : memref<26x160x128xi32, #tpu.memory_space<hbm>> -> memref<1x160x128xi32, #tpu.memory_space<hbm>>
      %dma_wait3A_273 = tpu.memref_squeeze %dma_wait3A_272 : memref<1x160x128xi32, #tpu.memory_space<hbm>> -> memref<160x128xi32, #tpu.memory_space<hbm>>
      tpu.wait_dma2 semaphore(%arg9 : memref<!tpu.dma_semaphore, #tpu.memory_space<semaphore_mem>>) src(%dma_wait3A_273 : memref<160x128xi32, #tpu.memory_space<hbm>>) dst(%arg6 : memref<160x128xi32, #tpu.memory_space<vmem>>)
      %scan3A_274 = arith.constant 0 : i32
      %scan3A_275 = arith.constant 0 : i32
      %scan3A_276 = arith.constant 20 : i32
      %scan3A_277 = arith.addi %scan3A_275, %scan3A_276 : i32
      %scan3A_278 = arith.constant 1 : i32
      scf.for %scan3A_280 = %scan3A_275 to %scan3A_277 step %scan3A_278  : i32 {
        %rem3A_281 = arith.constant 2 : i32
        %rem3A_282 = arith.remsi %scan3A_280, %rem3A_281 : i32
        %mul3A_283 = arith.constant 20 : i32
        %mul3A_284 = arith.muli %scan3A_113, %mul3A_283 : i32
        %add3A_285 = arith.addi %mul3A_284, %scan3A_280 : i32
        %ge3A = arith.constant 2 : i32
        %ge3A_286 = arith.cmpi sge, %add3A_285, %ge3A : i32
        %convert_element_type3A = arith.extui %ge3A_286 : i1 to i32
        %cond3A = arith.constant 0 : i32
        %cond3A_287 = arith.cmpi ne, %convert_element_type3A, %cond3A : i32
        scf.if %cond3A_287 {
          %eq3A_300 = arith.constant 0 : i32
          %eq3A_301 = arith.cmpi eq, %rem3A_282, %eq3A_300 : i32
          %convert_element_type3A_302 = arith.extui %eq3A_301 : i1 to i32
          %cond3A_303 = arith.constant 0 : i32
          %cond3A_304 = arith.cmpi ne, %convert_element_type3A_302, %cond3A_303 : i32
          scf.if %cond3A_304 {
            %jit3A_310 = arith.constant 8 : i32
            %div3A_311 = arith.divsi %add3A, %jit3A_310 : i32
            %sign3A_312 = arith.constant 0 : i32
            %sign3A_313 = arith.cmpi sgt, %add3A, %sign3A_312 : i32
            %sign3A_314 = arith.extui %sign3A_313 : i1 to i32
            %sign3A_315 = arith.constant 0 : i32
            %sign3A_316 = arith.cmpi slt, %add3A, %sign3A_315 : i32
            %sign3A_317 = arith.extui %sign3A_316 : i1 to i32
            %sign3A_318 = arith.subi %sign3A_314, %sign3A_317 : i32
            %sign3A_319 = arith.constant 0 : i32
            %sign3A_320 = arith.cmpi sgt, %jit3A_310, %sign3A_319 : i32
            %sign3A_321 = arith.extui %sign3A_320 : i1 to i32
            %sign3A_322 = arith.constant 0 : i32
            %sign3A_323 = arith.cmpi slt, %jit3A_310, %sign3A_322 : i32
            %sign3A_324 = arith.extui %sign3A_323 : i1 to i32
            %sign3A_325 = arith.subi %sign3A_321, %sign3A_324 : i32
            %ne3A_326 = arith.cmpi ne, %sign3A_318, %sign3A_325 : i32
            %rem3A_327 = arith.remsi %add3A, %jit3A_310 : i32
            %ne3A_328 = arith.constant 0 : i32
            %ne3A_329 = arith.cmpi ne, %rem3A_327, %ne3A_328 : i32
            %and3A_330 = arith.andi %ne3A_326, %ne3A_329 : i1
            %sub3A_331 = arith.constant 1 : i32
            %sub3A_332 = arith.subi %div3A_311, %sub3A_331 : i32
            %select_n3A_333 = arith.select %and3A_330, %sub3A_332, %div3A_311 : i32
            %jit3A_334 = arith.constant 8 : i32
            %eq3A_335 = arith.constant 0 : i32
            %eq3A_336 = arith.cmpi eq, %jit3A_334, %eq3A_335 : i32
            %jit3A_337 = arith.constant 1 : i32
            %select_n3A_338 = arith.select %eq3A_336, %jit3A_337, %jit3A_334 : i32
            %rem3A_339 = arith.remsi %add3A, %select_n3A_338 : i32
            %ne3A_340 = arith.constant 0 : i32
            %ne3A_341 = arith.cmpi ne, %rem3A_339, %ne3A_340 : i32
            %lt3A_342 = arith.constant 0 : i32
            %lt3A_343 = arith.cmpi slt, %rem3A_339, %lt3A_342 : i32
            %lt3A_344 = arith.constant 0 : i32
            %lt3A_345 = arith.cmpi slt, %select_n3A_338, %lt3A_344 : i32
            %ne3A_346 = arith.xori %lt3A_343, %lt3A_345 : i1
            %and3A_347 = arith.andi %ne3A_346, %ne3A_341 : i1
            %add3A_348 = arith.addi %rem3A_339, %select_n3A_338 : i32
            %select_n3A_349 = arith.select %and3A_347, %add3A_348, %rem3A_339 : i32
            %dma_wait3A_350 = arith.constant 0 : i32
            %dma_wait3A_351 = arith.constant 0 : i32
            %dma_wait3A_352 = arith.constant 0 : i32
            %dma_wait3A_353 = tpu.memref_slice %arg7[%dma_wait3A_350, %dma_wait3A_351, %dma_wait3A_352] : memref<2x8x128xf32, #tpu.memory_space<vmem>> -> memref<1x8x128xf32, #tpu.memory_space<vmem>>
            %dma_wait3A_354 = tpu.memref_squeeze %dma_wait3A_353 : memref<1x8x128xf32, #tpu.memory_space<vmem>> -> memref<8x128xf32, #tpu.memory_space<vmem>>
            %dma_wait3A_355 = arith.constant 0 : i32
            %dma_wait3A_356 = arith.constant 0 : i32
            %dma_wait3A_357 = tpu.memref_slice %arg4[%scan3A_280, %scan3A_113, %select_n3A_333, %dma_wait3A_355, %select_n3A_349, %dma_wait3A_356] : memref<20x26x4x8x8x128xf32, #tpu.memory_space<hbm>> -> memref<1x1x1x8x1x128xf32, #tpu.memory_space<hbm>>
            %dma_wait3A_358 = tpu.memref_squeeze %dma_wait3A_357 : memref<1x1x1x8x1x128xf32, #tpu.memory_space<hbm>> -> memref<8x128xf32, #tpu.memory_space<hbm>>
            %dma_wait3A_359 = arith.constant 0 : i32
            %dma_wait3A_360 = arith.constant 0 : i32
            %dma_wait3A_361 = tpu.memref_slice %arg4[%scan3A_280, %scan3A_113, %select_n3A_333, %dma_wait3A_359, %select_n3A_349, %dma_wait3A_360] : memref<20x26x4x8x8x128xf32, #tpu.memory_space<hbm>> -> memref<1x1x1x8x1x128xf32, #tpu.memory_space<hbm>>
            %dma_wait3A_362 = tpu.memref_squeeze %dma_wait3A_361 : memref<1x1x1x8x1x128xf32, #tpu.memory_space<hbm>> -> memref<8x128xf32, #tpu.memory_space<hbm>>
            %dma_wait3A_363 = arith.constant 0 : i32
            %dma_wait3A_364 = arith.constant 0 : i32
            %dma_wait3A_365 = tpu.memref_slice %arg7[%dma_wait3A_350, %dma_wait3A_363, %dma_wait3A_364] : memref<2x8x128xf32, #tpu.memory_space<vmem>> -> memref<1x8x128xf32, #tpu.memory_space<vmem>>
            %dma_wait3A_366 = tpu.memref_squeeze %dma_wait3A_365 : memref<1x8x128xf32, #tpu.memory_space<vmem>> -> memref<8x128xf32, #tpu.memory_space<vmem>>
            tpu.wait_dma2 semaphore(%arg10 : memref<!tpu.dma_semaphore, #tpu.memory_space<semaphore_mem>>) src(%dma_wait3A_366 : memref<8x128xf32, #tpu.memory_space<vmem>>) dst(%dma_wait3A_362 : memref<8x128xf32, #tpu.memory_space<hbm>>)
          } else {
          }
          %eq3A_305 = arith.constant 1 : i32
          %eq3A_306 = arith.cmpi eq, %rem3A_282, %eq3A_305 : i32
          %convert_element_type3A_307 = arith.extui %eq3A_306 : i1 to i32
          %cond3A_308 = arith.constant 0 : i32
          %cond3A_309 = arith.cmpi ne, %convert_element_type3A_307, %cond3A_308 : i32
          scf.if %cond3A_309 {
            %jit3A_310 = arith.constant 8 : i32
            %div3A_311 = arith.divsi %add3A, %jit3A_310 : i32
            %sign3A_312 = arith.constant 0 : i32
            %sign3A_313 = arith.cmpi sgt, %add3A, %sign3A_312 : i32
            %sign3A_314 = arith.extui %sign3A_313 : i1 to i32
            %sign3A_315 = arith.constant 0 : i32
            %sign3A_316 = arith.cmpi slt, %add3A, %sign3A_315 : i32
            %sign3A_317 = arith.extui %sign3A_316 : i1 to i32
            %sign3A_318 = arith.subi %sign3A_314, %sign3A_317 : i32
            %sign3A_319 = arith.constant 0 : i32
            %sign3A_320 = arith.cmpi sgt, %jit3A_310, %sign3A_319 : i32
            %sign3A_321 = arith.extui %sign3A_320 : i1 to i32
            %sign3A_322 = arith.constant 0 : i32
            %sign3A_323 = arith.cmpi slt, %jit3A_310, %sign3A_322 : i32
            %sign3A_324 = arith.extui %sign3A_323 : i1 to i32
            %sign3A_325 = arith.subi %sign3A_321, %sign3A_324 : i32
            %ne3A_326 = arith.cmpi ne, %sign3A_318, %sign3A_325 : i32
            %rem3A_327 = arith.remsi %add3A, %jit3A_310 : i32
            %ne3A_328 = arith.constant 0 : i32
            %ne3A_329 = arith.cmpi ne, %rem3A_327, %ne3A_328 : i32
            %and3A_330 = arith.andi %ne3A_326, %ne3A_329 : i1
            %sub3A_331 = arith.constant 1 : i32
            %sub3A_332 = arith.subi %div3A_311, %sub3A_331 : i32
            %select_n3A_333 = arith.select %and3A_330, %sub3A_332, %div3A_311 : i32
            %jit3A_334 = arith.constant 8 : i32
            %eq3A_335 = arith.constant 0 : i32
            %eq3A_336 = arith.cmpi eq, %jit3A_334, %eq3A_335 : i32
            %jit3A_337 = arith.constant 1 : i32
            %select_n3A_338 = arith.select %eq3A_336, %jit3A_337, %jit3A_334 : i32
            %rem3A_339 = arith.remsi %add3A, %select_n3A_338 : i32
            %ne3A_340 = arith.constant 0 : i32
            %ne3A_341 = arith.cmpi ne, %rem3A_339, %ne3A_340 : i32
            %lt3A_342 = arith.constant 0 : i32
            %lt3A_343 = arith.cmpi slt, %rem3A_339, %lt3A_342 : i32
            %lt3A_344 = arith.constant 0 : i32
            %lt3A_345 = arith.cmpi slt, %select_n3A_338, %lt3A_344 : i32
            %ne3A_346 = arith.xori %lt3A_343, %lt3A_345 : i1
            %and3A_347 = arith.andi %ne3A_346, %ne3A_341 : i1
            %add3A_348 = arith.addi %rem3A_339, %select_n3A_338 : i32
            %select_n3A_349 = arith.select %and3A_347, %add3A_348, %rem3A_339 : i32
            %dma_wait3A_350 = arith.constant 1 : i32
            %dma_wait3A_351 = arith.constant 0 : i32
            %dma_wait3A_352 = arith.constant 0 : i32
            %dma_wait3A_353 = tpu.memref_slice %arg7[%dma_wait3A_350, %dma_wait3A_351, %dma_wait3A_352] : memref<2x8x128xf32, #tpu.memory_space<vmem>> -> memref<1x8x128xf32, #tpu.memory_space<vmem>>
            %dma_wait3A_354 = tpu.memref_squeeze %dma_wait3A_353 : memref<1x8x128xf32, #tpu.memory_space<vmem>> -> memref<8x128xf32, #tpu.memory_space<vmem>>
            %dma_wait3A_355 = arith.constant 0 : i32
            %dma_wait3A_356 = arith.constant 0 : i32
            %dma_wait3A_357 = tpu.memref_slice %arg4[%scan3A_280, %scan3A_113, %select_n3A_333, %dma_wait3A_355, %select_n3A_349, %dma_wait3A_356] : memref<20x26x4x8x8x128xf32, #tpu.memory_space<hbm>> -> memref<1x1x1x8x1x128xf32, #tpu.memory_space<hbm>>
            %dma_wait3A_358 = tpu.memref_squeeze %dma_wait3A_357 : memref<1x1x1x8x1x128xf32, #tpu.memory_space<hbm>> -> memref<8x128xf32, #tpu.memory_space<hbm>>
            %dma_wait3A_359 = arith.constant 0 : i32
            %dma_wait3A_360 = arith.constant 0 : i32
            %dma_wait3A_361 = tpu.memref_slice %arg4[%scan3A_280, %scan3A_113, %select_n3A_333, %dma_wait3A_359, %select_n3A_349, %dma_wait3A_360] : memref<20x26x4x8x8x128xf32, #tpu.memory_space<hbm>> -> memref<1x1x1x8x1x128xf32, #tpu.memory_space<hbm>>
            %dma_wait3A_362 = tpu.memref_squeeze %dma_wait3A_361 : memref<1x1x1x8x1x128xf32, #tpu.memory_space<hbm>> -> memref<8x128xf32, #tpu.memory_space<hbm>>
            %dma_wait3A_363 = arith.constant 0 : i32
            %dma_wait3A_364 = arith.constant 0 : i32
            %dma_wait3A_365 = tpu.memref_slice %arg7[%dma_wait3A_350, %dma_wait3A_363, %dma_wait3A_364] : memref<2x8x128xf32, #tpu.memory_space<vmem>> -> memref<1x8x128xf32, #tpu.memory_space<vmem>>
            %dma_wait3A_366 = tpu.memref_squeeze %dma_wait3A_365 : memref<1x8x128xf32, #tpu.memory_space<vmem>> -> memref<8x128xf32, #tpu.memory_space<vmem>>
            tpu.wait_dma2 semaphore(%arg11 : memref<!tpu.dma_semaphore, #tpu.memory_space<semaphore_mem>>) src(%dma_wait3A_366 : memref<8x128xf32, #tpu.memory_space<vmem>>) dst(%dma_wait3A_362 : memref<8x128xf32, #tpu.memory_space<hbm>>)
          } else {
          }
        } else {
        }
        %parallel_loop3A = arith.constant 0 : i32
        %parallel_loop3A_288 = arith.constant 64 : i32
        %parallel_loop3A_289 = arith.constant 1 : i32
        scf.for %parallel_loop3A_300 = %parallel_loop3A to %parallel_loop3A_288 step %parallel_loop3A_289  : i32 {
          %parallel_loop3A_301 = arith.constant 8 : i32
          %parallel_loop3A_302 = arith.divsi %parallel_loop3A_300, %parallel_loop3A_301 : i32
          %parallel_loop3A_303 = arith.constant 0 : i32
          %parallel_loop3A_304 = arith.cmpi sgt, %parallel_loop3A_300, %parallel_loop3A_303 : i32
          %parallel_loop3A_305 = arith.extui %parallel_loop3A_304 : i1 to i32
          %parallel_loop3A_306 = arith.constant 0 : i32
          %parallel_loop3A_307 = arith.cmpi slt, %parallel_loop3A_300, %parallel_loop3A_306 : i32
          %parallel_loop3A_308 = arith.extui %parallel_loop3A_307 : i1 to i32
          %parallel_loop3A_309 = arith.subi %parallel_loop3A_305, %parallel_loop3A_308 : i32
          %parallel_loop3A_310 = arith.constant 0 : i32
          %parallel_loop3A_311 = arith.cmpi sgt, %parallel_loop3A_301, %parallel_loop3A_310 : i32
          %parallel_loop3A_312 = arith.extui %parallel_loop3A_311 : i1 to i32
          %parallel_loop3A_313 = arith.constant 0 : i32
          %parallel_loop3A_314 = arith.cmpi slt, %parallel_loop3A_301, %parallel_loop3A_313 : i32
          %parallel_loop3A_315 = arith.extui %parallel_loop3A_314 : i1 to i32
          %parallel_loop3A_316 = arith.subi %parallel_loop3A_312, %parallel_loop3A_315 : i32
          %parallel_loop3A_317 = arith.cmpi ne, %parallel_loop3A_309, %parallel_loop3A_316 : i32
          %parallel_loop3A_318 = arith.remsi %parallel_loop3A_300, %parallel_loop3A_301 : i32
          %parallel_loop3A_319 = arith.constant 0 : i32
          %parallel_loop3A_320 = arith.cmpi ne, %parallel_loop3A_318, %parallel_loop3A_319 : i32
          %parallel_loop3A_321 = arith.andi %parallel_loop3A_317, %parallel_loop3A_320 : i1
          %parallel_loop3A_322 = arith.constant 1 : i32
          %parallel_loop3A_323 = arith.subi %parallel_loop3A_302, %parallel_loop3A_322 : i32
          %parallel_loop3A_324 = arith.select %parallel_loop3A_321, %parallel_loop3A_323, %parallel_loop3A_302 : i32
          %parallel_loop3A_325 = arith.constant 8 : i32
          %parallel_loop3A_326 = arith.remsi %parallel_loop3A_300, %parallel_loop3A_325 : i32
          %parallel_loop3A_327 = arith.constant 16 : i32
          %parallel_loop3A_328 = arith.muli %parallel_loop3A_326, %parallel_loop3A_327 : i32
          %parallel_loop3A_329 = arith.constant 8 : i32
          %parallel_loop3A_330 = arith.muli %scan3A_280, %parallel_loop3A_329 : i32
          %parallel_loop3A_331 = arith.addi %parallel_loop3A_330, %parallel_loop3A_324 : i32
          %parallel_loop3A_332 = arith.index_cast %parallel_loop3A_331 : i32 to index
          %parallel_loop3A_333 = arith.index_cast %parallel_loop3A_328 : i32 to index
          %parallel_loop3A_334 = tpu.vector_load %arg6[%parallel_loop3A_332, %parallel_loop3A_333] {strides = array<i32>} : memref<160x128xi32, #tpu.memory_space<vmem>>, vector<16xi32>,
          %parallel_loop3A_335 = tpu.vector_load_idx %arg5[%parallel_loop3A_334] : memref<100000xf32, #tpu.memory_space<vmem>>[vector<16xi32>], vector<16xf32>,
          %parallel_loop3A_336 = arith.index_cast %rem3A_282 : i32 to index
          %parallel_loop3A_337 = arith.index_cast %parallel_loop3A_324 : i32 to index
          %parallel_loop3A_338 = arith.index_cast %parallel_loop3A_328 : i32 to index
          %parallel_loop3A_339 = tpu.vector_load %arg7[%parallel_loop3A_336, %parallel_loop3A_337, %parallel_loop3A_338] {strides = array<i32>} : memref<2x8x128xf32, #tpu.memory_space<vmem>>, vector<16xf32>,
          tpu.vector_store %arg7[%parallel_loop3A_336, %parallel_loop3A_337, %parallel_loop3A_338], %parallel_loop3A_335 {strides = array<i32>} : memref<2x8x128xf32, #tpu.memory_space<vmem>>, vector<16xf32>,
        } {sc.loop_unroll_factor = 16 : i64, sc.parallel_access}
        %eq3A_290 = arith.constant 0 : i32
        %eq3A_291 = arith.cmpi eq, %rem3A_282, %eq3A_290 : i32
        %convert_element_type3A_292 = arith.extui %eq3A_291 : i1 to i32
        %cond3A_293 = arith.constant 0 : i32
        %cond3A_294 = arith.cmpi ne, %convert_element_type3A_292, %cond3A_293 : i32
        scf.if %cond3A_294 {
          %jit3A_300 = arith.constant 8 : i32
          %div3A_301 = arith.divsi %add3A, %jit3A_300 : i32
          %sign3A_302 = arith.constant 0 : i32
          %sign3A_303 = arith.cmpi sgt, %add3A, %sign3A_302 : i32
          %sign3A_304 = arith.extui %sign3A_303 : i1 to i32
          %sign3A_305 = arith.constant 0 : i32
          %sign3A_306 = arith.cmpi slt, %add3A, %sign3A_305 : i32
          %sign3A_307 = arith.extui %sign3A_306 : i1 to i32
          %sign3A_308 = arith.subi %sign3A_304, %sign3A_307 : i32
          %sign3A_309 = arith.constant 0 : i32
          %sign3A_310 = arith.cmpi sgt, %jit3A_300, %sign3A_309 : i32
          %sign3A_311 = arith.extui %sign3A_310 : i1 to i32
          %sign3A_312 = arith.constant 0 : i32
          %sign3A_313 = arith.cmpi slt, %jit3A_300, %sign3A_312 : i32
          %sign3A_314 = arith.extui %sign3A_313 : i1 to i32
          %sign3A_315 = arith.subi %sign3A_311, %sign3A_314 : i32
          %ne3A_316 = arith.cmpi ne, %sign3A_308, %sign3A_315 : i32
          %rem3A_317 = arith.remsi %add3A, %jit3A_300 : i32
          %ne3A_318 = arith.constant 0 : i32
          %ne3A_319 = arith.cmpi ne, %rem3A_317, %ne3A_318 : i32
          %and3A_320 = arith.andi %ne3A_316, %ne3A_319 : i1
          %sub3A_321 = arith.constant 1 : i32
          %sub3A_322 = arith.subi %div3A_301, %sub3A_321 : i32
          %select_n3A_323 = arith.select %and3A_320, %sub3A_322, %div3A_301 : i32
          %jit3A_324 = arith.constant 8 : i32
          %eq3A_325 = arith.constant 0 : i32
          %eq3A_326 = arith.cmpi eq, %jit3A_324, %eq3A_325 : i32
          %jit3A_327 = arith.constant 1 : i32
          %select_n3A_328 = arith.select %eq3A_326, %jit3A_327, %jit3A_324 : i32
          %rem3A_329 = arith.remsi %add3A, %select_n3A_328 : i32
          %ne3A_330 = arith.constant 0 : i32
          %ne3A_331 = arith.cmpi ne, %rem3A_329, %ne3A_330 : i32
          %lt3A_332 = arith.constant 0 : i32
          %lt3A_333 = arith.cmpi slt, %rem3A_329, %lt3A_332 : i32
          %lt3A_334 = arith.constant 0 : i32
          %lt3A_335 = arith.cmpi slt, %select_n3A_328, %lt3A_334 : i32
          %ne3A_336 = arith.xori %lt3A_333, %lt3A_335 : i1
          %and3A_337 = arith.andi %ne3A_336, %ne3A_331 : i1
          %add3A_338 = arith.addi %rem3A_329, %select_n3A_328 : i32
          %select_n3A_339 = arith.select %and3A_337, %add3A_338, %rem3A_329 : i32
          %dma_start3A_340 = arith.constant 0 : i32
          %dma_start3A_341 = arith.constant 0 : i32
          %dma_start3A_342 = arith.constant 0 : i32
          %dma_start3A_343 = tpu.memref_slice %arg7[%dma_start3A_340, %dma_start3A_341, %dma_start3A_342] : memref<2x8x128xf32, #tpu.memory_space<vmem>> -> memref<1x8x128xf32, #tpu.memory_space<vmem>>
          %dma_start3A_344 = tpu.memref_squeeze %dma_start3A_343 : memref<1x8x128xf32, #tpu.memory_space<vmem>> -> memref<8x128xf32, #tpu.memory_space<vmem>>
          %dma_start3A_345 = arith.constant 0 : i32
          %dma_start3A_346 = arith.constant 0 : i32
          %dma_start3A_347 = tpu.memref_slice %arg4[%scan3A_280, %scan3A_113, %select_n3A_323, %dma_start3A_345, %select_n3A_339, %dma_start3A_346] : memref<20x26x4x8x8x128xf32, #tpu.memory_space<hbm>> -> memref<1x1x1x8x1x128xf32, #tpu.memory_space<hbm>>
          %dma_start3A_348 = tpu.memref_squeeze %dma_start3A_347 : memref<1x1x1x8x1x128xf32, #tpu.memory_space<hbm>> -> memref<8x128xf32, #tpu.memory_space<hbm>>
          %dma_start3A_349 = arith.constant 0 : i32
          %dma_start3A_350 = arith.constant 0 : i32
          %dma_start3A_351 = tpu.memref_slice %arg4[%scan3A_280, %scan3A_113, %select_n3A_323, %dma_start3A_349, %select_n3A_339, %dma_start3A_350] : memref<20x26x4x8x8x128xf32, #tpu.memory_space<hbm>> -> memref<1x1x1x8x1x128xf32, #tpu.memory_space<hbm>>
          %dma_start3A_352 = tpu.memref_squeeze %dma_start3A_351 : memref<1x1x1x8x1x128xf32, #tpu.memory_space<hbm>> -> memref<8x128xf32, #tpu.memory_space<hbm>>
          %dma_start3A_353 = arith.constant 0 : i32
          %dma_start3A_354 = arith.constant 0 : i32
          %dma_start3A_355 = tpu.memref_slice %arg7[%dma_start3A_340, %dma_start3A_353, %dma_start3A_354] : memref<2x8x128xf32, #tpu.memory_space<vmem>> -> memref<1x8x128xf32, #tpu.memory_space<vmem>>
          %dma_start3A_356 = tpu.memref_squeeze %dma_start3A_355 : memref<1x8x128xf32, #tpu.memory_space<vmem>> -> memref<8x128xf32, #tpu.memory_space<vmem>>
          tpu.enqueue_dma source(%dma_start3A_356 : memref<8x128xf32, #tpu.memory_space<vmem>>) target(%dma_start3A_352 : memref<8x128xf32, #tpu.memory_space<hbm>>) target_semaphore(%arg10 : memref<!tpu.dma_semaphore, #tpu.memory_space<semaphore_mem>>)
        } else {
        }
        %eq3A_295 = arith.constant 1 : i32
        %eq3A_296 = arith.cmpi eq, %rem3A_282, %eq3A_295 : i32
        %convert_element_type3A_297 = arith.extui %eq3A_296 : i1 to i32
        %cond3A_298 = arith.constant 0 : i32
        %cond3A_299 = arith.cmpi ne, %convert_element_type3A_297, %cond3A_298 : i32
        scf.if %cond3A_299 {
          %jit3A_300 = arith.constant 8 : i32
          %div3A_301 = arith.divsi %add3A, %jit3A_300 : i32
          %sign3A_302 = arith.constant 0 : i32
          %sign3A_303 = arith.cmpi sgt, %add3A, %sign3A_302 : i32
          %sign3A_304 = arith.extui %sign3A_303 : i1 to i32
          %sign3A_305 = arith.constant 0 : i32
          %sign3A_306 = arith.cmpi slt, %add3A, %sign3A_305 : i32
          %sign3A_307 = arith.extui %sign3A_306 : i1 to i32
          %sign3A_308 = arith.subi %sign3A_304, %sign3A_307 : i32
          %sign3A_309 = arith.constant 0 : i32
          %sign3A_310 = arith.cmpi sgt, %jit3A_300, %sign3A_309 : i32
          %sign3A_311 = arith.extui %sign3A_310 : i1 to i32
          %sign3A_312 = arith.constant 0 : i32
          %sign3A_313 = arith.cmpi slt, %jit3A_300, %sign3A_312 : i32
          %sign3A_314 = arith.extui %sign3A_313 : i1 to i32
          %sign3A_315 = arith.subi %sign3A_311, %sign3A_314 : i32
          %ne3A_316 = arith.cmpi ne, %sign3A_308, %sign3A_315 : i32
          %rem3A_317 = arith.remsi %add3A, %jit3A_300 : i32
          %ne3A_318 = arith.constant 0 : i32
          %ne3A_319 = arith.cmpi ne, %rem3A_317, %ne3A_318 : i32
          %and3A_320 = arith.andi %ne3A_316, %ne3A_319 : i1
          %sub3A_321 = arith.constant 1 : i32
          %sub3A_322 = arith.subi %div3A_301, %sub3A_321 : i32
          %select_n3A_323 = arith.select %and3A_320, %sub3A_322, %div3A_301 : i32
          %jit3A_324 = arith.constant 8 : i32
          %eq3A_325 = arith.constant 0 : i32
          %eq3A_326 = arith.cmpi eq, %jit3A_324, %eq3A_325 : i32
          %jit3A_327 = arith.constant 1 : i32
          %select_n3A_328 = arith.select %eq3A_326, %jit3A_327, %jit3A_324 : i32
          %rem3A_329 = arith.remsi %add3A, %select_n3A_328 : i32
          %ne3A_330 = arith.constant 0 : i32
          %ne3A_331 = arith.cmpi ne, %rem3A_329, %ne3A_330 : i32
          %lt3A_332 = arith.constant 0 : i32
          %lt3A_333 = arith.cmpi slt, %rem3A_329, %lt3A_332 : i32
          %lt3A_334 = arith.constant 0 : i32
          %lt3A_335 = arith.cmpi slt, %select_n3A_328, %lt3A_334 : i32
          %ne3A_336 = arith.xori %lt3A_333, %lt3A_335 : i1
          %and3A_337 = arith.andi %ne3A_336, %ne3A_331 : i1
          %add3A_338 = arith.addi %rem3A_329, %select_n3A_328 : i32
          %select_n3A_339 = arith.select %and3A_337, %add3A_338, %rem3A_329 : i32
          %dma_start3A_340 = arith.constant 1 : i32
          %dma_start3A_341 = arith.constant 0 : i32
          %dma_start3A_342 = arith.constant 0 : i32
          %dma_start3A_343 = tpu.memref_slice %arg7[%dma_start3A_340, %dma_start3A_341, %dma_start3A_342] : memref<2x8x128xf32, #tpu.memory_space<vmem>> -> memref<1x8x128xf32, #tpu.memory_space<vmem>>
          %dma_start3A_344 = tpu.memref_squeeze %dma_start3A_343 : memref<1x8x128xf32, #tpu.memory_space<vmem>> -> memref<8x128xf32, #tpu.memory_space<vmem>>
          %dma_start3A_345 = arith.constant 0 : i32
          %dma_start3A_346 = arith.constant 0 : i32
          %dma_start3A_347 = tpu.memref_slice %arg4[%scan3A_280, %scan3A_113, %select_n3A_323, %dma_start3A_345, %select_n3A_339, %dma_start3A_346] : memref<20x26x4x8x8x128xf32, #tpu.memory_space<hbm>> -> memref<1x1x1x8x1x128xf32, #tpu.memory_space<hbm>>
          %dma_start3A_348 = tpu.memref_squeeze %dma_start3A_347 : memref<1x1x1x8x1x128xf32, #tpu.memory_space<hbm>> -> memref<8x128xf32, #tpu.memory_space<hbm>>
          %dma_start3A_349 = arith.constant 0 : i32
          %dma_start3A_350 = arith.constant 0 : i32
          %dma_start3A_351 = tpu.memref_slice %arg4[%scan3A_280, %scan3A_113, %select_n3A_323, %dma_start3A_349, %select_n3A_339, %dma_start3A_350] : memref<20x26x4x8x8x128xf32, #tpu.memory_space<hbm>> -> memref<1x1x1x8x1x128xf32, #tpu.memory_space<hbm>>
          %dma_start3A_352 = tpu.memref_squeeze %dma_start3A_351 : memref<1x1x1x8x1x128xf32, #tpu.memory_space<hbm>> -> memref<8x128xf32, #tpu.memory_space<hbm>>
          %dma_start3A_353 = arith.constant 0 : i32
          %dma_start3A_354 = arith.constant 0 : i32
          %dma_start3A_355 = tpu.memref_slice %arg7[%dma_start3A_340, %dma_start3A_353, %dma_start3A_354] : memref<2x8x128xf32, #tpu.memory_space<vmem>> -> memref<1x8x128xf32, #tpu.memory_space<vmem>>
          %dma_start3A_356 = tpu.memref_squeeze %dma_start3A_355 : memref<1x8x128xf32, #tpu.memory_space<vmem>> -> memref<8x128xf32, #tpu.memory_space<vmem>>
          tpu.enqueue_dma source(%dma_start3A_356 : memref<8x128xf32, #tpu.memory_space<vmem>>) target(%dma_start3A_352 : memref<8x128xf32, #tpu.memory_space<hbm>>) target_semaphore(%arg11 : memref<!tpu.dma_semaphore, #tpu.memory_space<semaphore_mem>>)
        } else {
        }
      }
      %scan3A_279 = arith.constant 20 : i32
    }
    %scan3A_5 = arith.constant 26 : i32
    %jit3A = arith.constant 8 : i32
    %div3A = arith.divsi %add3A, %jit3A : i32
    %sign3A = arith.constant 0 : i32
    %sign3A_6 = arith.cmpi sgt, %add3A, %sign3A : i32
    %sign3A_7 = arith.extui %sign3A_6 : i1 to i32
    %sign3A_8 = arith.constant 0 : i32
    %sign3A_9 = arith.cmpi slt, %add3A, %sign3A_8 : i32
    %sign3A_10 = arith.extui %sign3A_9 : i1 to i32
    %sign3A_11 = arith.subi %sign3A_7, %sign3A_10 : i32
    %sign3A_12 = arith.constant 0 : i32
    %sign3A_13 = arith.cmpi sgt, %jit3A, %sign3A_12 : i32
    %sign3A_14 = arith.extui %sign3A_13 : i1 to i32
    %sign3A_15 = arith.constant 0 : i32
    %sign3A_16 = arith.cmpi slt, %jit3A, %sign3A_15 : i32
    %sign3A_17 = arith.extui %sign3A_16 : i1 to i32
    %sign3A_18 = arith.subi %sign3A_14, %sign3A_17 : i32
    %ne3A = arith.cmpi ne, %sign3A_11, %sign3A_18 : i32
    %rem3A = arith.remsi %add3A, %jit3A : i32
    %ne3A_19 = arith.constant 0 : i32
    %ne3A_20 = arith.cmpi ne, %rem3A, %ne3A_19 : i32
    %and3A = arith.andi %ne3A, %ne3A_20 : i1
    %sub3A = arith.constant 1 : i32
    %sub3A_21 = arith.subi %div3A, %sub3A : i32
    %select_n3A = arith.select %and3A, %sub3A_21, %div3A : i32
    %jit3A_22 = arith.constant 8 : i32
    %eq3A = arith.constant 0 : i32
    %eq3A_23 = arith.cmpi eq, %jit3A_22, %eq3A : i32
    %jit3A_24 = arith.constant 1 : i32
    %select_n3A_25 = arith.select %eq3A_23, %jit3A_24, %jit3A_22 : i32
    %rem3A_26 = arith.remsi %add3A, %select_n3A_25 : i32
    %ne3A_27 = arith.constant 0 : i32
    %ne3A_28 = arith.cmpi ne, %rem3A_26, %ne3A_27 : i32
    %lt3A = arith.constant 0 : i32
    %lt3A_29 = arith.cmpi slt, %rem3A_26, %lt3A : i32
    %lt3A_30 = arith.constant 0 : i32
    %lt3A_31 = arith.cmpi slt, %select_n3A_25, %lt3A_30 : i32
    %ne3A_32 = arith.xori %lt3A_29, %lt3A_31 : i1
    %and3A_33 = arith.andi %ne3A_32, %ne3A_28 : i1
    %add3A_34 = arith.addi %rem3A_26, %select_n3A_25 : i32
    %select_n3A_35 = arith.select %and3A_33, %add3A_34, %rem3A_26 : i32
    %dma_wait3A = arith.constant 0 : i32
    %dma_wait3A_36 = arith.constant 0 : i32
    %dma_wait3A_37 = arith.constant 0 : i32
    %dma_wait3A_38 = arith.constant 0 : i32
    %dma_wait3A_39 = arith.constant 0 : i32
    %dma_wait3A_40 = tpu.memref_slice %arg7[%dma_wait3A, %dma_wait3A_38, %dma_wait3A_39] : memref<2x8x128xf32, #tpu.memory_space<vmem>> -> memref<1x8x128xf32, #tpu.memory_space<vmem>>
    %dma_wait3A_41 = tpu.memref_squeeze %dma_wait3A_40 : memref<1x8x128xf32, #tpu.memory_space<vmem>> -> memref<8x128xf32, #tpu.memory_space<vmem>>
    %dma_wait3A_42 = arith.constant 0 : i32
    %dma_wait3A_43 = arith.constant 0 : i32
    %dma_wait3A_44 = tpu.memref_slice %arg4[%dma_wait3A_36, %dma_wait3A_37, %select_n3A, %dma_wait3A_42, %select_n3A_35, %dma_wait3A_43] : memref<20x26x4x8x8x128xf32, #tpu.memory_space<hbm>> -> memref<1x1x1x8x1x128xf32, #tpu.memory_space<hbm>>
    %dma_wait3A_45 = tpu.memref_squeeze %dma_wait3A_44 : memref<1x1x1x8x1x128xf32, #tpu.memory_space<hbm>> -> memref<8x128xf32, #tpu.memory_space<hbm>>
    %dma_wait3A_46 = arith.constant 0 : i32
    %dma_wait3A_47 = arith.constant 0 : i32
    %dma_wait3A_48 = tpu.memref_slice %arg4[%dma_wait3A_36, %dma_wait3A_37, %select_n3A, %dma_wait3A_46, %select_n3A_35, %dma_wait3A_47] : memref<20x26x4x8x8x128xf32, #tpu.memory_space<hbm>> -> memref<1x1x1x8x1x128xf32, #tpu.memory_space<hbm>>
    %dma_wait3A_49 = tpu.memref_squeeze %dma_wait3A_48 : memref<1x1x1x8x1x128xf32, #tpu.memory_space<hbm>> -> memref<8x128xf32, #tpu.memory_space<hbm>>
    %dma_wait3A_50 = arith.constant 0 : i32
    %dma_wait3A_51 = arith.constant 0 : i32
    %dma_wait3A_52 = tpu.memref_slice %arg7[%dma_wait3A, %dma_wait3A_50, %dma_wait3A_51] : memref<2x8x128xf32, #tpu.memory_space<vmem>> -> memref<1x8x128xf32, #tpu.memory_space<vmem>>
    %dma_wait3A_53 = tpu.memref_squeeze %dma_wait3A_52 : memref<1x8x128xf32, #tpu.memory_space<vmem>> -> memref<8x128xf32, #tpu.memory_space<vmem>>
    tpu.wait_dma2 semaphore(%arg10 : memref<!tpu.dma_semaphore, #tpu.memory_space<semaphore_mem>>) src(%dma_wait3A_53 : memref<8x128xf32, #tpu.memory_space<vmem>>) dst(%dma_wait3A_49 : memref<8x128xf32, #tpu.memory_space<hbm>>)
    %jit3A_54 = arith.constant 8 : i32
    %div3A_55 = arith.divsi %add3A, %jit3A_54 : i32
    %sign3A_56 = arith.constant 0 : i32
    %sign3A_57 = arith.cmpi sgt, %add3A, %sign3A_56 : i32
    %sign3A_58 = arith.extui %sign3A_57 : i1 to i32
    %sign3A_59 = arith.constant 0 : i32
    %sign3A_60 = arith.cmpi slt, %add3A, %sign3A_59 : i32
    %sign3A_61 = arith.extui %sign3A_60 : i1 to i32
    %sign3A_62 = arith.subi %sign3A_58, %sign3A_61 : i32
    %sign3A_63 = arith.constant 0 : i32
    %sign3A_64 = arith.cmpi sgt, %jit3A_54, %sign3A_63 : i32
    %sign3A_65 = arith.extui %sign3A_64 : i1 to i32
    %sign3A_66 = arith.constant 0 : i32
    %sign3A_67 = arith.cmpi slt, %jit3A_54, %sign3A_66 : i32
    %sign3A_68 = arith.extui %sign3A_67 : i1 to i32
    %sign3A_69 = arith.subi %sign3A_65, %sign3A_68 : i32
    %ne3A_70 = arith.cmpi ne, %sign3A_62, %sign3A_69 : i32
    %rem3A_71 = arith.remsi %add3A, %jit3A_54 : i32
    %ne3A_72 = arith.constant 0 : i32
    %ne3A_73 = arith.cmpi ne, %rem3A_71, %ne3A_72 : i32
    %and3A_74 = arith.andi %ne3A_70, %ne3A_73 : i1
    %sub3A_75 = arith.constant 1 : i32
    %sub3A_76 = arith.subi %div3A_55, %sub3A_75 : i32
    %select_n3A_77 = arith.select %and3A_74, %sub3A_76, %div3A_55 : i32
    %jit3A_78 = arith.constant 8 : i32
    %eq3A_79 = arith.constant 0 : i32
    %eq3A_80 = arith.cmpi eq, %jit3A_78, %eq3A_79 : i32
    %jit3A_81 = arith.constant 1 : i32
    %select_n3A_82 = arith.select %eq3A_80, %jit3A_81, %jit3A_78 : i32
    %rem3A_83 = arith.remsi %add3A, %select_n3A_82 : i32
    %ne3A_84 = arith.constant 0 : i32
    %ne3A_85 = arith.cmpi ne, %rem3A_83, %ne3A_84 : i32
    %lt3A_86 = arith.constant 0 : i32
    %lt3A_87 = arith.cmpi slt, %rem3A_83, %lt3A_86 : i32
    %lt3A_88 = arith.constant 0 : i32
    %lt3A_89 = arith.cmpi slt, %select_n3A_82, %lt3A_88 : i32
    %ne3A_90 = arith.xori %lt3A_87, %lt3A_89 : i1
    %and3A_91 = arith.andi %ne3A_90, %ne3A_85 : i1
    %add3A_92 = arith.addi %rem3A_83, %select_n3A_82 : i32
    %select_n3A_93 = arith.select %and3A_91, %add3A_92, %rem3A_83 : i32
    %dma_wait3A_94 = arith.constant 1 : i32
    %dma_wait3A_95 = arith.constant 0 : i32
    %dma_wait3A_96 = arith.constant 0 : i32
    %dma_wait3A_97 = arith.constant 0 : i32
    %dma_wait3A_98 = arith.constant 0 : i32
    %dma_wait3A_99 = tpu.memref_slice %arg7[%dma_wait3A_94, %dma_wait3A_97, %dma_wait3A_98] : memref<2x8x128xf32, #tpu.memory_space<vmem>> -> memref<1x8x128xf32, #tpu.memory_space<vmem>>
    %dma_wait3A_100 = tpu.memref_squeeze %dma_wait3A_99 : memref<1x8x128xf32, #tpu.memory_space<vmem>> -> memref<8x128xf32, #tpu.memory_space<vmem>>
    %dma_wait3A_101 = arith.constant 0 : i32
    %dma_wait3A_102 = arith.constant 0 : i32
    %dma_wait3A_103 = tpu.memref_slice %arg4[%dma_wait3A_95, %dma_wait3A_96, %select_n3A_77, %dma_wait3A_101, %select_n3A_93, %dma_wait3A_102] : memref<20x26x4x8x8x128xf32, #tpu.memory_space<hbm>> -> memref<1x1x1x8x1x128xf32, #tpu.memory_space<hbm>>
    %dma_wait3A_104 = tpu.memref_squeeze %dma_wait3A_103 : memref<1x1x1x8x1x128xf32, #tpu.memory_space<hbm>> -> memref<8x128xf32, #tpu.memory_space<hbm>>
    %dma_wait3A_105 = arith.constant 0 : i32
    %dma_wait3A_106 = arith.constant 0 : i32
    %dma_wait3A_107 = tpu.memref_slice %arg4[%dma_wait3A_95, %dma_wait3A_96, %select_n3A_77, %dma_wait3A_105, %select_n3A_93, %dma_wait3A_106] : memref<20x26x4x8x8x128xf32, #tpu.memory_space<hbm>> -> memref<1x1x1x8x1x128xf32, #tpu.memory_space<hbm>>
    %dma_wait3A_108 = tpu.memref_squeeze %dma_wait3A_107 : memref<1x1x1x8x1x128xf32, #tpu.memory_space<hbm>> -> memref<8x128xf32, #tpu.memory_space<hbm>>
    %dma_wait3A_109 = arith.constant 0 : i32
    %dma_wait3A_110 = arith.constant 0 : i32
    %dma_wait3A_111 = tpu.memref_slice %arg7[%dma_wait3A_94, %dma_wait3A_109, %dma_wait3A_110] : memref<2x8x128xf32, #tpu.memory_space<vmem>> -> memref<1x8x128xf32, #tpu.memory_space<vmem>>
    %dma_wait3A_112 = tpu.memref_squeeze %dma_wait3A_111 : memref<1x8x128xf32, #tpu.memory_space<vmem>> -> memref<8x128xf32, #tpu.memory_space<vmem>>
    tpu.wait_dma2 semaphore(%arg11 : memref<!tpu.dma_semaphore, #tpu.memory_space<semaphore_mem>>) src(%dma_wait3A_112 : memref<8x128xf32, #tpu.memory_space<vmem>>) dst(%dma_wait3A_108 : memref<8x128xf32, #tpu.memory_space<hbm>>)
    return
  }
}

module attributes {stable_mosaic.version = 14 : i64} {
  func.func @_copy_body(%arg0: i32, %arg1: i32, %arg2: memref<8x81920xf32, #tpu.memory_space<vmem>>, %arg3: memref<8x640x128xf32, #tpu.memory_space<vmem>>) attributes {dimension_semantics = [#tpu.dimension_semantics<arbitrary>, #tpu.dimension_semantics<arbitrary>], iteration_bounds = array<i64: 4, 32>, scalar_prefetch = 0 : i64, scratch_operands = 0 : i64, tpu.core_type = #tpu.core_type<tc>, window_params = [{transform_indices = @transform_0, window_bounds = array<i64: 8, 81920>}, {transform_indices = @transform_1, window_bounds = array<i64: 8, 640, 128>}]} {
    %get3A = arith.constant 0 : index
    %get3A_0 = arith.constant 0 : index
    %get3A_1 = vector.load %arg2[%get3A, %get3A_0] : memref<8x81920xf32, #tpu.memory_space<vmem>>, vector<8x81920xf32>
    %reshape3A = vector.shape_cast %get3A_1 : vector<8x81920xf32> to vector<8x640x128xf32>
    %swap3A = arith.constant 0 : index
    %swap3A_2 = arith.constant 0 : index
    %swap3A_3 = arith.constant 0 : index
    %swap3A_4 = vector.load %arg3[%swap3A, %swap3A_2, %swap3A_3] : memref<8x640x128xf32, #tpu.memory_space<vmem>>, vector<8x640x128xf32>
    tpu.vector_store %arg3[%swap3A, %swap3A_2, %swap3A_3], %reshape3A {strides = array<i32>} : memref<8x640x128xf32, #tpu.memory_space<vmem>>, vector<8x640x128xf32>,
    return
  }
  func.func @transform_0(%arg0: i32, %arg1: i32) -> (i32, i32) {
    %c0_i32 = arith.constant 0 : i32
    return %arg0, %arg1 : i32, i32
  }
  func.func @transform_1(%arg0: i32, %arg1: i32) -> (i32, i32, i32) {
    %c0_i32 = arith.constant 0 : i32
    %c0_i32_0 = arith.constant 0 : i32
    return %arg0, %arg1, %c0_i32 : i32, i32, i32
  }
}

</mosaic_0001>

<sc_bundles>
// kernel: kernel.4.cloned.1.call-start
scs
__scs_entry_jumppad:
0x0: {  	(pc) =	sbr.rel $0x88, $3  }
0x1: {  	(tag) =	ssettag $0x0;
	lr =	simm.s32 $0x1  }
0x2: {  	[smem:$0x3F9F] =	sst lr;
	_ =	strace $0xD0000000  }
0x3: {  	_ = 	snop  }
0x4: {  	_ = 	snop  }
0x5: {  	_ = 	snop  }
0x6: {  	_ = 	snop  }
0x7: {  	_ = 	snop  }
__scs_overlays_trampoline_lowered:
0x8: {  	[smem:$0x3FAE] =	sst s0  }
0x9: {  	[smem:$0x3FAF] =	sst s1  }
0xa: {  	[smem:$0x3FB0] =	sst s2  }
0xb: {  	[smem:$0x3FB1] =	sst s3  }
0xc: {  	[smem:$0x3FB2] =	sst s4  }
0xd: {  	[smem:$0x3FB3] =	sst s5  }
0xe: {  	[smem:$0x3FB4] =	sst s6  }
0xf: {  	[smem:$0x3FB5] =	sst s7  }
0x10: {  	[smem:$0x3FB6] =	sst s8  }
0x11: {  	[smem:$0x3FB7] =	sst s9;
	s0 =	simm.s32 @!p0 $0x0  }
0x12: {  	s1 =	sld [smem:$0x3F9D];
	s0 =	simm.s32 @p0 $0x1  }
0x13: {  	[smem:$0x3FB8] =	sst s0;
	s0 =	simm.s32 @!p1 $0x0  }
0x14: {  	s2 =	sld [smem:$0x3F9C];
	s0 =	simm.s32 @p1 $0x1  }
0x15: {  	[smem:$0x3FB9] =	sst s0;
	s0 =	simm.s32 @!p2 $0x0  }
0x16: {  	s3 =	sld [smem:$0x3FDB];
	s0 =	simm.s32 @p2 $0x1  }
0x17: {  	s4 =	simm.s32 $0x1BF5;
	[smem:$0x3FBB] =	sst s0  }
0x18: {  	s0 =	sld [smem:$0x3F9E];
	_ =	swait.ge [sflag:s4], $0x0  }
0x19: {  	s7 =	sld [smem:$0x3F9F]  }
0x1a: {  	s8 =	sadd.s32 $0xFFFFE003, lr  }
0x1b: {  	s9 =	sadd.s32 $0xFFFFFEF7, lr;
	s5 =	simm.s32 $0xFFFFFFFF;
	p2 =	slt.u32 s8, $0xFFFFF086  }
0x1c: {  	p1 =	slt.u32 s9, $0xF7A;
	s5 =	simm.s32 @!p2 $0x0  }
0x1d: {  	s5 =	simm.s32 @p1 $0x1;
	p0 =	seq.s32 s7, s2  }
0x1e: {  	s7 =	smul.u32 @!p0 $0xF7A, s2;
	p2 =	seq.s32 @!p0 s5, $0x0  }
0x1f: {  	s9 =	smul.u32 $0xF7A, s1;
	s8 =	simm.s32 @!p0 $0x1BF5;
	p2 =	por !p2, p0  }
0x20: {  	[sflag:s8] =	ssyncset.s32 @!p0 $0xFFFFF086;
	s6 =	sadd.s32 @!p0 s3, s7;
	s7 =	simm.s32 @!p0 $0x108  }
0x21: {  	s3 =	sadd.s32 s3, s9;
	s6 =	sadd.s32 @!p0 $0x88, s6;
	s7 =	simm.s32 @p2 $0x1082  }
0x22: {  	[simem:s7], [sflag:s8] =	dma.local @!p0 [hbm:s6], $0xF7A  }
0x23: {  	s9 =	sor.u32 $0xD0000000, s2;
	s6 =	simm.s32 $0x108;
	_ =	swait.ge @!p0 [sflag:s8], $0x0  }
0x24: {  	s3 =	sadd.s32 $0x88, s3;
	s6 =	simm.s32 @!p1 $0x1082;
	[sflag:s4] =	ssyncset.s32 $0xFFFFF086  }
0x25: {  	[simem:s6], [sflag:s4] =	dma.local [hbm:s3], $0xF7A  }
0x26: {  	[smem:$0x3F9F] =	sst s1;
	(tag) =	ssettag s2;
	_ =	strace s9  }
0x27: {  	s1 =	sld [smem:$0x3FAF]  }
0x28: {  	s2 =	sld [smem:$0x3FB0]  }
0x29: {  	s4 =	sld [smem:$0x3FB2]  }
0x2a: {  	p0 =	seq.s32 s5, $0x0;
	s5 =	sld [smem:$0x3FB3]  }
0x2b: {  	s6 =	sld [smem:$0x3FB4]  }
0x2c: {  	s7 =	sld [smem:$0x3FB5]  }
0x2d: {  	s3 =	simm.s32 $0x108;
	s8 =	sld [smem:$0x3FB6]  }
0x2e: {  	s3 =	simm.s32 @!p0 $0x1082;
	s9 =	sld [smem:$0x3FB7]  }
0x2f: {  	lr =	sadd.s32 s0, s3;
	s0 =	sld [smem:$0x3FAE]  }
0x30: {  	s3 =	sld [smem:$0x3FB1]  }
0x31: {  	[smem:$0x3FBA] =	sst s10  }
0x32: {  	s10 =	sld [smem:$0x3FB8];
	_ =	sdelay $0x3  }
0x33: {  	p0 =	seq.s32 s10, $0x1;
	s10 =	sld [smem:$0x3FBA];
	_ =	sdelay $0x3  }
0x34: {  	[smem:$0x3FBA] =	sst s10  }
0x35: {  	s10 =	sld [smem:$0x3FB9];
	_ =	sdelay $0x3  }
0x36: {  	p1 =	seq.s32 s10, $0x1;
	s10 =	sld [smem:$0x3FBA];
	_ =	sdelay $0x3  }
0x37: {  	[smem:$0x3FBA] =	sst s10  }
0x38: {  	s10 =	sld [smem:$0x3FBB]  }
0x39: {  	_ = 	snop;
	(pc) =	sbr.ind lr, $3  }
0x3a: {  	_ = 	snop  }
0x3b: {  	_ = 	snop  }
0x3c: {  	p2 =	seq.s32 s10, $0x1;
	s10 =	sld [smem:$0x3FBA]  }
0x3d: {  	_ =	shalt  }
0x3e: {  	_ =	shalt  }
0x3f: {  	_ =	shalt  }
0x40: {  	_ =	shalt  }
0x41: {  	_ =	shalt  }
0x42: {  	_ =	shalt  }
0x43: {  	_ =	shalt  }
0x44: {  	_ =	shalt  }
0x45: {  	_ =	shalt  }
0x46: {  	_ =	shalt  }
0x47: {  	_ =	shalt  }
0x48: {  	_ =	shalt  }
0x49: {  	_ =	shalt  }
0x4a: {  	_ =	shalt  }
0x4b: {  	_ =	shalt  }
0x4c: {  	_ =	shalt  }
0x4d: {  	_ =	shalt  }
0x4e: {  	_ =	shalt  }
0x4f: {  	_ =	shalt  }
0x50: {  	_ =	shalt  }
0x51: {  	_ =	shalt  }
0x52: {  	_ =	shalt  }
0x53: {  	_ =	shalt  }
0x54: {  	_ =	shalt  }
0x55: {  	_ =	shalt  }
0x56: {  	_ =	shalt  }
0x57: {  	_ =	shalt  }
0x58: {  	_ =	shalt  }
0x59: {  	_ =	shalt  }
0x5a: {  	_ =	shalt  }
0x5b: {  	_ =	shalt  }
0x5c: {  	_ =	shalt  }
0x5d: {  	_ =	shalt  }
0x5e: {  	_ =	shalt  }
0x5f: {  	_ =	shalt  }
0x60: {  	_ =	shalt  }
0x61: {  	_ =	shalt  }
0x62: {  	_ =	shalt  }
0x63: {  	_ =	shalt  }
0x64: {  	_ =	shalt  }
0x65: {  	_ =	shalt  }
0x66: {  	_ =	shalt  }
0x67: {  	_ =	shalt  }
0x68: {  	_ =	shalt  }
0x69: {  	_ =	shalt  }
0x6a: {  	_ =	shalt  }
0x6b: {  	_ =	shalt  }
0x6c: {  	_ =	shalt  }
0x6d: {  	_ =	shalt  }
0x6e: {  	_ =	shalt  }
0x6f: {  	_ =	shalt  }
0x70: {  	_ =	shalt  }
0x71: {  	_ =	shalt  }
0x72: {  	_ =	shalt  }
0x73: {  	_ =	shalt  }
0x74: {  	_ =	shalt  }
0x75: {  	_ =	shalt  }
0x76: {  	_ =	shalt  }
0x77: {  	_ =	shalt  }
0x78: {  	_ =	shalt  }
0x79: {  	_ =	shalt  }
0x7a: {  	_ =	shalt  }
0x7b: {  	_ =	shalt  }
0x7c: {  	_ =	shalt  }
0x7d: {  	_ =	shalt  }
0x7e: {  	_ =	shalt  }
0x7f: {  	_ =	shalt  }
0x80: {  	_ =	shalt  }
0x81: {  	_ =	shalt  }
0x82: {  	_ =	shalt  }
0x83: {  	_ =	shalt  }
0x84: {  	_ =	shalt  }
0x85: {  	_ =	shalt  }
0x86: {  	_ =	shalt  }
0x87: {  	_ =	shalt  }
.Lfunc_end0:
.L_simem_size_0:
called_computation_lowered:
.L_overlay_start_0:
0x88: {  	s2 =	sld [smem:$0x3FD9]  }
0x89: {  	s3 =	sld [smem:$0x3FFE];
	_ =	sdelay $0x1  }
0x8a: {  	s1 =	srdreg.scid  }
0x8b: {  	s0 =	sand.u32 $0x1, s1  }
0x8c: {  	s17 =	sshll.u32 s0, $0xA;
	s2 =	sadd.s32 s3, s2  }
0x8d: {  	s2 =	sadd.s32 s2, s17  }
0x8e: {  	[smem:$0x3FC6] =	sst s2  }
0x8f: {  	_ = 	snop  }
0x90: {  	s2 =	sld [smem:$0x3FD0];
	(tm) =	ssettm $0x1  }
0x91: {  	s18 =	sld [smem:$0x3FFB];
	_ =	sdelay $0x3  }
0x92: {  	_ =	strace s18  }
0x93: {  	s3 =	sld [smem:$0x3FFC];
	_ =	sdelay $0x3  }
0x94: {  	_ =	strace s3  }
0x95: {  	s3 =	sld [smem:$0x3FFD];
	_ =	sdelay $0x3  }
0x96: {  	_ =	strace s3  }
0x97: {  	_ =	strace $0x8FFFFFFF  }
0x98: {  	s19 =	sld [smem:$0x3FDB];
	_ =	sdelay $0x1  }
0x99: {  	s4 =	simm.s32 $_scs_section_size  }
0x9a: {  	s5 =	simm.s32 $_size__tile_overlayer_lowered;
	s6 =	simm.s32 $_tile_overlayer_lowered  }
0x9b: {  	s22 =	simm.s32 $0x1BFF;
	s21 =	sshll.u32 s6, $0x1;
	s3 =	sadd.s32 s4, s19  }
0x9c: {  	s7 =	simm.s32 $0x0;
	s20 =	sshll.u32 s5, $0x1;
	s5 =	sadd.s32 s21, s3  }
0x9d: {  	[timem:s7], [sflag:s22] =	dma.local [hbm:s5], s20  }
0x9e: {  	_ =	swait.ge [sflag:s22], s20  }
0x9f: {  	s4 =	ssub.s32 $0x0, s20;
	[sflag:s22] =	ssyncset.done $0x0  }
0xa0: {  	[sflag:s22] =	ssyncadd.s32 s4;
	_ =	sdelay $0x1  }
0xa1: {  	s23 =	simm.s32 $0x1B8B  }
0xa2: {  	_ =	swait.ge [sflag:s23], $0x1  }
0xa3: {  	[sflag:s23] =	ssyncset.done $0x0  }
0xa4: {  	s25 =	simm.s32 $0x1B8E;
	s24 =	sld [smem:$0x3FFE];
	[sflag:s23] =	ssyncadd.s32 $0xFFFFFFFF  }
0xa5: {  	s26 =	simm.s32 $execute0_lowered;
	[smem:$0x3FD2] =	sst s25  }
0xa6: {  	s5 =	sshll.u32 s26, $0x1;
	_ =	strace $0x80000046;
	[dreg:$0x1] =	wrdreg $0xFFFFFFFF  }
0xa7: {  	s28 =	simm.s32 $_size_execute0_lowered;
	s3 =	sadd.s32 s3, s5;
	[dreg:$0x0] =	wrdreg $0x0  }
0xa8: {  	s5 =	sshll.u32 s28, $0x1;
	[dreg:$0x2] =	wrdreg s3  }
0xa9: {  	[dreg:$0x3] =	wrdreg s5  }
0xaa: {  	[dreg:$0x4] =	wrdreg $0xC0  }
0xab: {  	_ =	task [dreg:s7], $0x5FFFF  }
0xac: {  	[dreg:$0x1] =	wrdreg $0xFFFFFFFF  }
0xad: {  	[dreg:$0x0] =	wrdreg $0x60  }
0xae: {  	[dreg:$0x2] =	wrdreg s24  }
0xaf: {  	[dreg:$0x3] =	wrdreg s2  }
0xb0: {  	[dreg:$0x4] =	wrdreg $0x9  }
0xb1: {  	_ =	task.clear_ibuf [dreg:s7], $0x5FFFF;
	_ =	strace $0x90000046  }
0xb2: {  	s29 =	simm.s32 $0x9;
	_ =	strace $0x80000048  }
0xb3: {  	_ =	swait.ge [sflag:s29], $0x1  }
0xb4: {  	[sflag:s29] =	ssyncadd.s32 $0xFFFFFFFF  }
0xb5: {  	_ =	strace $0x90000048  }
0xb6: {  	_ =	sfence  }
0xb7: {  	s30 =	sld [smem:$0x0];
	_ =	sdelay $0x2  }
0xb8: {  	s31 =	sshll.u32 s1, $0xD;
	s1 =	sshrl.u32 s1, $0x2  }
0xb9: {  	s3 =	sand.u32 $0x4000, s31;
	s1 =	sadd.s32 s1, s30  }
0xba: {  	s0 =	sor.u32 s3, s0;
	s1 =	sshll.u32 s1, $0x11  }
0xbb: {  	s0 =	sor.u32 s1, s0  }
0xbc: {  	s0 =	sadd.s32 $0x8F2B, s0  }
0xbd: {  	[sflag:s0] =	ssyncadd.remote.s32 $0x1  }
0xbe: {  	_ =	sfence.sel $0xFFFF  }
0xbf: {  	[dreg:$0x0] =	wrdreg $0xFFFFFFFF;
	(pc) =	sbr.abs _section_cstart, $3  }
0xc0: {  	[dreg:$0x1] =	wrdreg $0xFFFFFFFF  }
0xc1: {  	_ =	task.clear_ibuf [dreg:s7], $0x2FFFF;
	_ =	strace $0x9FFFFFFF  }
0xc2: {  	(tm) =	ssettm $0x7FFFFFFF  }
0xc3: {  	_ =	shalt  }
tec
execute0_lowered:
.L_overlay_start_1:
0x0: {  	(tag) =	ssettag $0x1  }
0x1: {  	s0 =	rddreg [dreg:$0x0]  }
0x2: {  	s1 =	rddreg [dreg:$0x1];
	s3 =	simm.s32 $0x0  }
0x3: {  	s4 =	srdreg.scid;
	s2 =	stileid.u32;
	s11 =	simm.s32 $0x7530  }
0x4: {  	s12 =	simm.s32 $0x9C40;
	s13 =	simm.s32 $0xC350;
	s14 =	simm.s32 $0xEA60  }
0x5: {  	s15 =	simm.s32 $0x11170;
	s16 =	simm.s32 $0x13880;
	s17 =	simm.s32 $0x15F90  }
0x6: {  	s18 =	simm.s32 $0x186A0;
	s19 =	simm.s32 $0x1;
	s20 =	simm.s32 $0x2  }
0x7: {  	s21 =	simm.s32 $0x3;
	s22 =	simm.s32 $0x4;
	s23 =	simm.s32 $0x0  }
0x8: {  	[smem:$0x7FF] =	sst s3;
	s5 =	sand.u32 $0x1, s4;
	s6 =	sshll.u32 s2, $0x1  }
0x9: {  	s4 =	sadd.s32 $0x10800, s0;
	s9 =	sshll.u32 s2, $0xB;
	_ =	strace $0x80000047  }
0xa: {  	s7 =	ssub.s32 $0x2, s5;
	s6 =	sor.u32 s5, s6;
	s5 =	sadd.s32 $0x400, s0  }
0xb: {  	s8 =	sshrl.u32 s7, $0x1;
	s10 =	sshll.u32 s6, $0x7;
	s6 =	smul.u32 $0x280000, s6  }
0xc: {  	s30 =	ssub.s32 s7, s8;
	s31 =	sor.u32 s10, s9;
	s9 =	simm.s32 $0x2710  }
0xd: {  	s10 =	simm.s32 $0x4E20;
	s7 =	sand.u32 $0x6380, s31;
	s8 =	smax.u32 s30, $0x1  }
.LBB2_1:
0xe: {  	s24 =	simm.s32 $0x0  }
.LBB2_2:
0xf: {  	s0 =	smul.u32 $0x186A0, s24;
	_ =	sdelay $0x1  }
0x10: {  	s0 =	sadd.s32 s6, s0  }
0x11: {  	s0 =	sshrl.u32 s0, $0x3  }
0x12: {  	s25 =	simm.s32 $0x0;
	s0 =	sadd.s32 s4, s0  }
0x13: {  	[tilespmem:s25], [sflag:$0x1] =	stream.linear.gather [hbm4b:s0+s25], $0x2710, $0x38;
	[tilespmem:$0x1DEA0] =	vst v63  }
0x14: {  	s26 =	sadd.s32 $0x4E2, s0  }
0x15: {  	[tilespmem:s9], [sflag:$0x1] =	stream.linear.gather [hbm4b:s26+s25], $0x2710, $0x38;
	[tilespmem:$0x1DEA0] =	vst v63  }
0x16: {  	s31 =	sadd.s32 $0x9C4, s0  }
0x17: {  	[tilespmem:s10], [sflag:$0x1] =	stream.linear.gather [hbm4b:s31+s25], $0x2710, $0x38;
	[tilespmem:$0x1DEA0] =	vst v63  }
0x18: {  	s2 =	sadd.s32 $0xEA6, s0  }
0x19: {  	[tilespmem:s11], [sflag:$0x1] =	stream.linear.gather [hbm4b:s2+s25], $0x2710, $0x38;
	[tilespmem:$0x1DEA0] =	vst v63  }
0x1a: {  	s30 =	sadd.s32 $0x1388, s0  }
0x1b: {  	[tilespmem:s12], [sflag:$0x1] =	stream.linear.gather [hbm4b:s30+s25], $0x2710, $0x38;
	[tilespmem:$0x1DEA0] =	vst v63  }
0x1c: {  	s31 =	sadd.s32 $0x186A, s0  }
0x1d: {  	[tilespmem:s13], [sflag:$0x1] =	stream.linear.gather [hbm4b:s31+s25], $0x2710, $0x38;
	[tilespmem:$0x1DEA0] =	vst v63  }
0x1e: {  	s2 =	sadd.s32 $0x1D4C, s0  }
0x1f: {  	[tilespmem:s14], [sflag:$0x1] =	stream.linear.gather [hbm4b:s2+s25], $0x2710, $0x38;
	[tilespmem:$0x1DEA0] =	vst v63  }
0x20: {  	s30 =	sadd.s32 $0x222E, s0  }
0x21: {  	[tilespmem:s15], [sflag:$0x1] =	stream.linear.gather [hbm4b:s30+s25], $0x2710, $0x38;
	[tilespmem:$0x1DEA0] =	vst v63  }
0x22: {  	s31 =	sadd.s32 $0x2710, s0  }
0x23: {  	[tilespmem:s16], [sflag:$0x1] =	stream.linear.gather [hbm4b:s31+s25], $0x2710, $0x38;
	[tilespmem:$0x1DEA0] =	vst v63  }
0x24: {  	s0 =	sadd.s32 $0x2BF2, s0;
	s2 =	smul.u32 $0xA00, s24  }
0x25: {  	[tilespmem:s17], [sflag:$0x1] =	stream.linear.gather [hbm4b:s0+s25], $0x2710, $0x38;
	[tilespmem:$0x1DEA0] =	vst v63  }
0x26: {  	s30 =	sadd.s32 s5, s2  }
0x27: {  	[tilespmem:s18], [sflag:$0x2] =	stream.linear.gather [hbm4b:s30+s25], $0x5000, $0x38;
	[tilespmem:$0x1DEA0] =	vst v63  }
0x28: {  	_ =	swait.ge [sflag:s19], $0x2710  }
0x29: {  	[sflag:s19] =	ssyncset.done $0x0  }
0x2a: {  	[sflag:s19] =	ssyncadd.s32 $0xFFFFD8F0  }
0x2b: {  	_ =	swait.ge [sflag:s19], $0x2710  }
0x2c: {  	[sflag:s19] =	ssyncset.done $0x0  }
0x2d: {  	[sflag:s19] =	ssyncadd.s32 $0xFFFFD8F0  }
0x2e: {  	_ =	swait.ge [sflag:s19], $0x2710  }
0x2f: {  	[sflag:s19] =	ssyncset.done $0x0  }
0x30: {  	[sflag:s19] =	ssyncadd.s32 $0xFFFFD8F0  }
0x31: {  	_ =	swait.ge [sflag:s19], $0x2710  }
0x32: {  	[sflag:s19] =	ssyncset.done $0x0  }
0x33: {  	[sflag:s19] =	ssyncadd.s32 $0xFFFFD8F0  }
0x34: {  	_ =	swait.ge [sflag:s19], $0x2710  }
0x35: {  	[sflag:s19] =	ssyncset.done $0x0  }
0x36: {  	[sflag:s19] =	ssyncadd.s32 $0xFFFFD8F0  }
0x37: {  	_ =	swait.ge [sflag:s19], $0x2710  }
0x38: {  	[sflag:s19] =	ssyncset.done $0x0  }
0x39: {  	[sflag:s19] =	ssyncadd.s32 $0xFFFFD8F0  }
0x3a: {  	_ =	swait.ge [sflag:s19], $0x2710  }
0x3b: {  	[sflag:s19] =	ssyncset.done $0x0  }
0x3c: {  	[sflag:s19] =	ssyncadd.s32 $0xFFFFD8F0  }
0x3d: {  	_ =	swait.ge [sflag:s19], $0x2710  }
0x3e: {  	[sflag:s19] =	ssyncset.done $0x0  }
0x3f: {  	[sflag:s19] =	ssyncadd.s32 $0xFFFFD8F0  }
0x40: {  	_ =	swait.ge [sflag:s19], $0x2710  }
0x41: {  	[sflag:s19] =	ssyncset.done $0x0  }
0x42: {  	[sflag:s19] =	ssyncadd.s32 $0xFFFFD8F0  }
0x43: {  	_ =	swait.ge [sflag:s19], $0x2710  }
0x44: {  	[sflag:s19] =	ssyncset.done $0x0  }
0x45: {  	[sflag:s19] =	ssyncadd.s32 $0xFFFFD8F0  }
0x46: {  	s29 =	simm.s32 $0x18720;
	_ =	swait.ge [sflag:s20], $0x5000  }
0x47: {  	p0 =	por $0x0, $0x0;
	s31 =	sshll.u32 s24, $0xF;
	[sflag:s20] =	ssyncset.done $0x0  }
0x48: {  	s26 =	smul.u32 $0x14, s24;
	s28 =	sor.u32 s7, s31;
	[sflag:s20] =	ssyncadd.s32 $0xFFFFB000  }
.LBB2_3:
0x49: {  	_ = 	snop  }
0x4a: {  	s0 =	sadd.s32 s26, s25  }
0x4b: {  	p1 =	slt.u32 s0, $0x2  }
0x4c: {  	s0 =	sand.u32 @!p1 $0x1, s25  }
0x4d: {  	p2 =	seq.s32 @!p1 s0, $0x1  }
0x4e: {  	s0 =	simm.s32 @!p1 $0x4;
	p2 =	por !p2, p1  }
0x4f: {  	s0 =	simm.s32 @p2 $0x3  }
0x50: {  	_ =	swait.ge @!p1 [sflag:s0], $0x400  }
0x51: {  	[sflag:s0] =	ssyncset.done @!p1 $0x0  }
0x52: {  	[sflag:s0] =	ssyncadd.s32 @!p1 $0xFFFFFC00  }
0x53: {  	v0 =	vld [tilespmem:s29+$0x70]  }
0x54: {  	v1 =	vld [tilespmem:s29+$0xFFFFFF90]  }
0x55: {  	v2 =	vld [tilespmem:s29+$0xFFFFFFA0]  }
0x56: {  	v3 =	vld [tilespmem:s29+$0xFFFFFFB0]  }
0x57: {  	v4 =	vld [tilespmem:s29+$0xFFFFFFC0]  }
0x58: {  	v5 =	vld [tilespmem:s29+$0xFFFFFFD0]  }
0x59: {  	v6 =	vld [tilespmem:s29+$0xFFFFFFE0]  }
0x5a: {  	v7 =	vld [tilespmem:s29+$0xFFFFFFF0]  }
0x5b: {  	v8 =	vld [tilespmem:s29+$0x0]  }
0x5c: {  	v9 =	vld [tilespmem:s29+$0x10]  }
0x5d: {  	v10 =	vld [tilespmem:s29+$0x20]  }
0x5e: {  	v11 =	vld [tilespmem:s29+$0x30]  }
0x5f: {  	v12 =	vld [tilespmem:s29+$0x40]  }
0x60: {  	v13 =	vld [tilespmem:s29+$0x50]  }
0x61: {  	v14 =	vld [tilespmem:s29+$0x60]  }
0x62: {  	v15 =	vld [tilespmem:s29+$0xFFFFFF80]  }
0x63: {  	v0 =	vld.idx.msk [tilespmem:v0+s3+$0x0], $0xffff  }
0x64: {  	v1 =	vld.idx.msk [tilespmem:v1+s3+$0x0], $0xffff  }
0x65: {  	s0 =	simm.s32 $0x1;
	v2 =	vld.idx.msk [tilespmem:v2+s3+$0x0], $0xffff  }
0x66: {  	s0 =	simm.s32 @!p0 $0x0;
	v3 =	vld.idx.msk [tilespmem:v3+s3+$0x0], $0xffff  }
0x67: {  	s0 =	sshll.u32 s0, $0xA;
	v4 =	vld.idx.msk [tilespmem:v4+s3+$0x0], $0xffff  }
0x68: {  	s30 =	sadd.s32 $0x1D720, s0;
	v5 =	vld.idx.msk [tilespmem:v5+s3+$0x0], $0xffff  }
0x69: {  	v6 =	vld.idx.msk [tilespmem:v6+s3+$0x0], $0xffff;
	[tilespmem:s30+$0x70] =	vst v0  }
0x6a: {  	[tilespmem:s30+$0xFFFFFF90] =	vst v1;
	v1 =	vld.idx.msk [tilespmem:v7+s3+$0x0], $0xffff  }
0x6b: {  	v7 =	vld.idx.msk [tilespmem:v15+s3+$0x0], $0xffff;
	[tilespmem:s30+$0xFFFFFFA0] =	vst v2  }
0x6c: {  	[tilespmem:s30+$0xFFFFFFB0] =	vst v3;
	v2 =	vld.idx.msk [tilespmem:v8+s3+$0x0], $0xffff  }
0x6d: {  	[tilespmem:s30+$0xFFFFFFC0] =	vst v4;
	v3 =	vld.idx.msk [tilespmem:v9+s3+$0x0], $0xffff  }
0x6e: {  	[tilespmem:s30+$0xFFFFFFD0] =	vst v5;
	v0 =	vld.idx.msk [tilespmem:v10+s3+$0x0], $0xffff  }
0x6f: {  	[tilespmem:s30+$0xFFFFFFE0] =	vst v6;
	v4 =	vld.idx.msk [tilespmem:v11+s3+$0x0], $0xffff  }
0x70: {  	v5 =	vld.idx.msk [tilespmem:v12+s3+$0x0], $0xffff;
	[tilespmem:s30+$0xFFFFFFF0] =	vst v1  }
0x71: {  	[tilespmem:s30+$0xFFFFFF80] =	vst v7;
	v1 =	vld.idx.msk [tilespmem:v13+s3+$0x0], $0xffff  }
0x72: {  	s31 =	simm.s32 $0x0;
	s0 =	sadd.s32 $0x100, s29;
	[tilespmem:s30+$0x0] =	vst v2;
	v2 =	vld.idx.msk [tilespmem:v14+s3+$0x0], $0xffff  }
.LBB2_4:
0x73: {  	v6 =	vld [tilespmem:s0+$0x70];
	s31 =	sadd.s32 $0x10, s31;
	[tilespmem:s30+$0x10] =	vst v3  }
0x74: {  	v3 =	vld [tilespmem:s0+$0xFFFFFF90];
	p1 =	slt.u32 s31, $0x30;
	[tilespmem:s30+$0x20] =	vst v0  }
0x75: {  	v0 =	vld [tilespmem:s0+$0xFFFFFFA0];
	[tilespmem:s30+$0x30] =	vst v4  }
0x76: {  	v4 =	vld [tilespmem:s0+$0xFFFFFFB0];
	[tilespmem:s30+$0x40] =	vst v5  }
0x77: {  	v5 =	vld [tilespmem:s0+$0xFFFFFFC0];
	[tilespmem:s30+$0x50] =	vst v1  }
0x78: {  	v1 =	vld [tilespmem:s0+$0xFFFFFFD0];
	[tilespmem:s30+$0x60] =	vst v2  }
0x79: {  	v2 =	vld [tilespmem:s0+$0xFFFFFFE0]  }
0x7a: {  	v7 =	vld [tilespmem:s0+$0xFFFFFFF0]  }
0x7b: {  	v6 =	vld.idx.msk [tilespmem:v6+s3+$0x0], $0xffff  }
0x7c: {  	v8 =	vld [tilespmem:s0+$0x0]  }
0x7d: {  	v9 =	vld [tilespmem:s0+$0x10]  }
0x7e: {  	v10 =	vld [tilespmem:s0+$0x20]  }
0x7f: {  	v11 =	vld [tilespmem:s0+$0x30]  }
0x80: {  	s30 =	sadd.s32 $0x100, s30;
	v12 =	vld [tilespmem:s0+$0x40]  }
0x81: {  	v13 =	vld [tilespmem:s0+$0x50];
	[tilespmem:s30+$0x70] =	vst v6  }
0x82: {  	v6 =	vld [tilespmem:s0+$0x60]  }
0x83: {  	v14 =	vld [tilespmem:s0+$0xFFFFFF80]  }
0x84: {  	v3 =	vld.idx.msk [tilespmem:v3+s3+$0x0], $0xffff  }
0x85: {  	v0 =	vld.idx.msk [tilespmem:v0+s3+$0x0], $0xffff  }
0x86: {  	v4 =	vld.idx.msk [tilespmem:v4+s3+$0x0], $0xffff  }
0x87: {  	v5 =	vld.idx.msk [tilespmem:v5+s3+$0x0], $0xffff  }
0x88: {  	v1 =	vld.idx.msk [tilespmem:v1+s3+$0x0], $0xffff  }
0x89: {  	v2 =	vld.idx.msk [tilespmem:v2+s3+$0x0], $0xffff  }
0x8a: {  	[tilespmem:s30+$0xFFFFFF90] =	vst v3;
	v7 =	vld.idx.msk [tilespmem:v7+s3+$0x0], $0xffff  }
0x8b: {  	v14 =	vld.idx.msk [tilespmem:v14+s3+$0x0], $0xffff;
	[tilespmem:s30+$0xFFFFFFA0] =	vst v0  }
0x8c: {  	[tilespmem:s30+$0xFFFFFFB0] =	vst v4;
	v8 =	vld.idx.msk [tilespmem:v8+s3+$0x0], $0xffff  }
0x8d: {  	[tilespmem:s30+$0xFFFFFFC0] =	vst v5;
	v3 =	vld.idx.msk [tilespmem:v9+s3+$0x0], $0xffff  }
.Ltmp0:
0x8e: {  	[tilespmem:s30+$0xFFFFFFD0] =	vst v1;
	v0 =	vld.idx.msk [tilespmem:v10+s3+$0x0], $0xffff;
	(pc) =	sbr.rel @p1 .LBB2_4-.Ltmp0, $4  }
0x8f: {  	[tilespmem:s30+$0xFFFFFFE0] =	vst v2;
	v4 =	vld.idx.msk [tilespmem:v11+s3+$0x0], $0xffff  }
0x90: {  	[tilespmem:s30+$0xFFFFFFF0] =	vst v7;
	v5 =	vld.idx.msk [tilespmem:v12+s3+$0x0], $0xffff  }
0x91: {  	[tilespmem:s30+$0xFFFFFF80] =	vst v14;
	v1 =	vld.idx.msk [tilespmem:v13+s3+$0x0], $0xffff  }
0x92: {  	s0 =	sadd.s32 $0x100, s0;
	[tilespmem:s30+$0x0] =	vst v8;
	v2 =	vld.idx.msk [tilespmem:v6+s3+$0x0], $0xffff  }
0x93: {  	[tilespmem:s30+$0x10] =	vst v3  }
0x94: {  	s0 =	smul.u32 $0xD0000, s25;
	[tilespmem:s30+$0x20] =	vst v0  }
0x95: {  	s31 =	sand.u32 $0x1, s25;
	[tilespmem:s30+$0x30] =	vst v4  }
0x96: {  	p1 =	seq.s32 s31, $0x1;
	s0 =	sadd.s32 s28, s0;
	[tilespmem:s30+$0x40] =	vst v5  }
0x97: {  	s25 =	sadd.s32 $0x1, s25;
	s31 =	simm.s32 @p1 $0x400;
	s0 =	sshrl.u32 s0, $0x3;
	[tilespmem:s30+$0x50] =	vst v1  }
0x98: {  	s2 =	simm.s32 @p1 $0x1DAA0;
	s0 =	sadd.s32 s1, s0;
	[tilespmem:s30+$0x60] =	vst v2;
	s30 =	simm.s32 @p1 $0x80  }
0x99: {  	[hbm4b:s0+s30] =	stream.strided.scatter @p1 [tilespmem:s2], [sflag:$0x4], $0x400, s31, s30, $0x38;
	[tilespmem:$0x1DEA0] =	vst v63  }
0x9a: {  	s2 =	simm.s32 @!p1 $0x80;
	s30 =	simm.s32 @!p1 $0x400;
	s31 =	simm.s32 @!p1 $0x1D6A0  }
0x9b: {  	[hbm4b:s0+s2] =	stream.strided.scatter @!p1 [tilespmem:s31], [sflag:$0x3], $0x400, s30, s2, $0x38;
	[tilespmem:$0x1DEA0] =	vst v63  }
0x9c: {  	p1 =	sne.s32 s25, $0x14  }
.Ltmp1:
0x9d: {  	_ = 	snop;
	(pc) =	sbr.rel @p1 .LBB2_3-.Ltmp1, $2  }
0x9e: {  	_ =	sdelay $0x2  }
0x9f: {  	s29 =	sadd.s32 $0x400, s29;
	p0 =	por !p0, !p0  }
0xa0: {  	s24 =	sadd.s32 $0x1, s24  }
0xa1: {  	p0 =	sne.s32 s24, $0x1A  }
.Ltmp2:
0xa2: {  	_ = 	snop;
	(pc) =	sbr.rel @p0 .LBB2_2-.Ltmp2, $1  }
0xa3: {  	_ =	sdelay $0x3  }
0xa4: {  	s23 =	sadd.s32 $0x1, s23  }
0xa5: {  	_ =	swait.ge [sflag:s21], $0x400;
	p0 =	sne.s32 s23, s8  }
.Ltmp3:
0xa6: {  	[sflag:s21] =	ssyncset.done $0x0;
	(pc) =	sbr.rel @p0 .LBB2_1-.Ltmp3, $4  }
0xa7: {  	[sflag:s21] =	ssyncadd.s32 $0xFFFFFC00  }
0xa8: {  	_ =	swait.ge [sflag:s22], $0x400  }
0xa9: {  	[sflag:s22] =	ssyncset.done $0x0  }
0xaa: {  	[sflag:s22] =	ssyncadd.s32 $0xFFFFFC00  }
0xab: {  	_ =	sfence.sel $0x180000  }
0xac: {  	[bflag:$0x0] =	sbarrier.arrive $0xFFFF  }
0xad: {  	_ =	strace $0x90000047  }
0xae: {  	s0 =	stileid.u32;
	[bflag:$0x2] =	sbarrier.arrive $0xFFFF  }
0xaf: {  	p0 =	sne.s32 s0, $0x0;
	s0 =	rddreg [dreg:$0x2]  }
0xb0: {  	s0 =	sadd.s32 @!p0 $0x100000, s0  }
0xb1: {  	[sflag:s0] =	ssyncadd.tile.s32 @!p0 $0x1;
	_ =	shalt  }
.Lfunc_end2:
_tile_overlayer_lowered:
.L_overlay_start_2:
0xb2: {  	(tag) =	ssettag $0x2  }
0xb3: {  	s0 =	rddreg [dreg:$0x0];
	s2 =	stileid.u32  }
0xb4: {  	s1 =	rddreg [dreg:$0x1];
	p0 =	sne.s32 s2, $0x0  }
0xb5: {  	s3 =	rddreg [dreg:$0x2];
	[bflag:$0x3] =	sbarrier.arrive $0xFFFF;
	s2 =	simm.s32 @!p0 $0x1C05  }
0xb6: {  	[timem:s3], [sflag:s2] =	dma.local @!p0 [hbm:s0], s1  }
0xb7: {  	s0 =	simm.s32 @!p0 $0x5  }
0xb8: {  	_ =	swait.ge @!p0 [sflag:s0], s1  }
0xb9: {  	s1 =	ssub.s32 @!p0 $0x0, s1;
	[sflag:s0] =	ssyncset.done @!p0 $0x0  }
0xba: {  	[sflag:s0] =	ssyncadd.s32 @!p0 s1  }
0xbb: {  	[bflag:$0x3] =	sbarrier.arrive $0xFFFF  }
0xbc: {  	_ =	shalt  }

</sc_bundles>
